<compile_context>
chip_gen: v7x
topology: tpu7x:2x2x1
jax: 0.10.2.dev20260603
libtpu: 0.0.44.dev20260713+nightly
codegen_flags: <defaults>
</compile_context>

<pallas_src>
import jax
import jax.numpy as jnp
import numpy as np
from jax import lax
from jax.experimental import pallas as pl
from jax.experimental.pallas import tpu as pltpu
from jax.experimental.pallas import tpu_sc as plsc

B = 64
N = 32768
TOTAL = B * N
NUM_BANNED = 4096
L = 16
NW = 32
NS = 16
CHUNK = TOTAL // NW
ROWS_PER_W = B // NW
MIN_VAL = float(np.finfo(np.float32).min)
BIG = 2**30


def _sc_body(q_hbm, banned_hbm, vals_hbm, idx_hbm,
             q_v, banned_v, res_val_v, res_idx_v, semq):
    c = lax.axis_index("c")
    s = lax.axis_index("s")
    wid = c * NS + s
    base = wid * CHUNK

    cpq = pltpu.async_copy(q_hbm.at[pl.ds(base, CHUNK)], q_v, semq)
    pltpu.sync_copy(banned_hbm, banned_v)
    cpq.wait()

    lane = lax.broadcasted_iota(jnp.int32, (L,), 0)
    minvec = jnp.full((L,), MIN_VAL, dtype=jnp.float32)

    @plsc.parallel_loop(0, NUM_BANNED, L, unroll=4)
    def _(i):
        idxv = banned_v[pl.ds(i, L)]
        loc = idxv - base
        msk = (loc >= 0) & (loc < CHUNK)
        loc_safe = jnp.where(msk, loc, 0)
        plsc.store_scatter(q_v, [loc_safe], minvec, mask=msk)

    U = 8
    Q = 4
    res_val = jnp.zeros((L,), jnp.float32)
    res_idx = jnp.zeros((L,), jnp.int32)
    for r in range(ROWS_PER_W):
        m0 = tuple(jnp.full((L,), -jnp.inf, dtype=jnp.float32)
                   for _ in range(U))
        i0 = tuple(jnp.zeros((L,), jnp.int32) for _ in range(U))
        step0 = jnp.zeros((L,), jnp.int32)

        @plsc.parallel_loop(0, N, U * Q * L, carry=(m0, i0, step0))
        def red_step(off, carry):
            ms, mis, ivec = carry
            ms, mis = list(ms), list(mis)
            for u in range(U):
                o = off + u * Q * L
                w01 = jnp.maximum(q_v[pl.ds(r * N + o, L)],
                                  q_v[pl.ds(r * N + o + L, L)])
                w23 = jnp.maximum(q_v[pl.ds(r * N + o + 2 * L, L)],
                                  q_v[pl.ds(r * N + o + 3 * L, L)])
                w = jnp.maximum(w01, w23)
                take = w > ms[u]
                ms[u] = jnp.where(take, w, ms[u])
                mis[u] = jnp.where(take, ivec, mis[u])
            return tuple(ms), tuple(mis), ivec + 1

        ms, mis, _ = red_step
        qds = [mis[u] * U + u for u in range(U)]
        M, QD = ms[0], qds[0]
        for u in range(1, U):
            better = (ms[u] > M) | ((ms[u] == M) & (qds[u] < QD))
            M = jnp.where(better, ms[u], M)
            QD = jnp.where(better, qds[u], QD)
        m_star = jnp.max(M)
        qd_star = jnp.min(jnp.where(M == m_star, QD, BIG))
        qbase = qd_star * (Q * L)
        i_star = jnp.full((L,), BIG, jnp.int32)
        for j in range(Q):
            vj = q_v[pl.ds(r * N + qbase + j * L, L)]
            ej = jnp.where(vj == m_star, qbase + j * L + lane, BIG)
            i_star = jnp.minimum(i_star, ej)
        i_star = jnp.min(i_star)
        res_val = jnp.where(lane == r, m_star, res_val)
        res_idx = jnp.where(lane == r, i_star, res_idx)

    res_val_v[...] = res_val
    res_idx_v[...] = res_idx
    cpv = pltpu.async_copy(res_val_v, vals_hbm.at[wid], semq)
    pltpu.sync_copy(res_idx_v, idx_hbm.at[wid])
    cpv.wait()


def kernel(q_values, banned):
    banned32 = banned.astype(jnp.int32)
    mesh = plsc.VectorSubcoreMesh(core_axis_name="c", subcore_axis_name="s")
    vals_p, idx_p = pl.kernel(
        _sc_body,
        mesh=mesh,
        out_type=[
            jax.ShapeDtypeStruct((NW, L), jnp.float32),
            jax.ShapeDtypeStruct((NW, L), jnp.int32),
        ],
        scratch_types=[
            pltpu.VMEM((CHUNK,), jnp.float32),
            pltpu.VMEM((NUM_BANNED,), jnp.int32),
            pltpu.VMEM((L,), jnp.float32),
            pltpu.VMEM((L,), jnp.int32),
            pltpu.SemaphoreType.DMA,
        ],
        compiler_params=pltpu.CompilerParams(needs_layout_passes=False),
    )(q_values, banned32)
    values = vals_p[:, :ROWS_PER_W].reshape(B, 1)
    indices = idx_p[:, :ROWS_PER_W].reshape(B, 1)
    return values, indices

# --- scband reference (transcript-rebuilt; emitter-appended) ---
"""Pipeline reference for scband-graph-dqn-16329465659433 (READ-ONLY COPY).

The authoritative reference and input builder live on the scoring server;
editing this copy changes nothing except your own understanding.
"""

import jax, jax.numpy as jnp
import numpy as np

B = 64
N = 32768

def setup_inputs(seed: int = 0) -> dict:
    key = jax.random.key(seed)
    k1, k2 = jax.random.split(key)
    q_values = jax.random.normal(k1, (B * N,), dtype=jnp.float32)
    banned = jax.random.randint(k2, (4096,), 0, B * N, dtype=jnp.int64)
    return {"q_values": q_values, "banned": banned}

def reference(q_values, banned):
    # Faithful translation of GraphDQN.select_action_from_q_values:
    # mask forbidden (banned) flat action indices with float32 min (index_fill_),
    # reshape jagged -> [num_graphs, actions_per_graph], then top-1 per graph.
    min_val = jnp.asarray(np.finfo(np.float32).min, dtype=jnp.float32)
    q = q_values.at[banned].set(min_val)
    jagged = q.reshape(B, N)
    values, indices = jax.lax.top_k(jagged, 1)
    return (values, indices)

if __name__ == "__main__":
    import jax
    _d = setup_inputs()
    print(jax.jit(kernel)(*tuple(_d.values())))

</pallas_src>

<mosaic_0001>
#map = affine_map<(d0, d1) -> (0)>
#map1 = affine_map<(d0, d1) -> (0, 0)>
module attributes {stable_mosaic.version = 14 : i64} {
  func.func @_sc_body(%arg0: i32, %arg1: i32, %arg2: memref<2097152xf32, #tpu.memory_space<hbm>>, %arg3: memref<4096xi32, #tpu.memory_space<hbm>>, %arg4: memref<32x16xf32, #tpu.memory_space<hbm>>, %arg5: memref<32x16xi32, #tpu.memory_space<hbm>>, %arg6: memref<65536xf32, #tpu.memory_space<vmem>>, %arg7: memref<4096xi32, #tpu.memory_space<vmem>>, %arg8: memref<16xf32, #tpu.memory_space<vmem>>, %arg9: memref<16xi32, #tpu.memory_space<vmem>>, %arg10: memref<!tpu.dma_semaphore, #tpu.memory_space<semaphore_mem>>) attributes {dimension_semantics = [#tpu.dimension_semantics<core_parallel>, #tpu.dimension_semantics<subcore_parallel>], iteration_bounds = array<i64: 2, 16>, scalar_prefetch = 0 : i64, scratch_operands = 5 : i64, tpu.core_type = #tpu.core_type<sc_vector_subcore>, window_params = [{transform_indices = #map}, {transform_indices = #map}, {transform_indices = #map1}, {transform_indices = #map1}]} {
    %mul3A = arith.constant 16 : i32
    %mul3A_0 = arith.muli %arg0, %mul3A : i32
    %add3A = arith.addi %mul3A_0, %arg1 : i32
    %mul3A_1 = arith.constant 65536 : i32
    %mul3A_2 = arith.muli %add3A, %mul3A_1 : i32
    %dma_start3A = tpu.memref_slice %arg2[%mul3A_2] : memref<2097152xf32, #tpu.memory_space<hbm>> -> memref<65536xf32, #tpu.memory_space<hbm>>
    %dma_start3A_3 = tpu.memref_slice %arg2[%mul3A_2] : memref<2097152xf32, #tpu.memory_space<hbm>> -> memref<65536xf32, #tpu.memory_space<hbm>>
    tpu.enqueue_dma source(%dma_start3A_3 : memref<65536xf32, #tpu.memory_space<hbm>>) target(%arg6 : memref<65536xf32, #tpu.memory_space<vmem>>) target_semaphore(%arg10 : memref<!tpu.dma_semaphore, #tpu.memory_space<semaphore_mem>>)
    "tpu.region"() ({
      %run_scoped3A = tpu.sem_alloc : memref<!tpu.dma_semaphore, #tpu.memory_space<semaphore_mem>>
      tpu.enqueue_dma source(%arg3 : memref<4096xi32, #tpu.memory_space<hbm>>) target(%arg7 : memref<4096xi32, #tpu.memory_space<vmem>>) target_semaphore(%run_scoped3A : memref<!tpu.dma_semaphore, #tpu.memory_space<semaphore_mem>>)
      tpu.wait_dma2 semaphore(%run_scoped3A : memref<!tpu.dma_semaphore, #tpu.memory_space<semaphore_mem>>) src(%arg3 : memref<4096xi32, #tpu.memory_space<hbm>>) dst(%arg7 : memref<4096xi32, #tpu.memory_space<vmem>>)
      tpu.yield
    }) : () -> ()
    %dma_wait3A = tpu.memref_slice %arg2[%mul3A_2] : memref<2097152xf32, #tpu.memory_space<hbm>> -> memref<65536xf32, #tpu.memory_space<hbm>>
    %dma_wait3A_4 = tpu.memref_slice %arg2[%mul3A_2] : memref<2097152xf32, #tpu.memory_space<hbm>> -> memref<65536xf32, #tpu.memory_space<hbm>>
    tpu.wait_dma2 semaphore(%arg10 : memref<!tpu.dma_semaphore, #tpu.memory_space<semaphore_mem>>) src(%dma_wait3A_4 : memref<65536xf32, #tpu.memory_space<hbm>>) dst(%arg6 : memref<65536xf32, #tpu.memory_space<vmem>>)
    %iota3A = tpu.iota {dimensions = array<i32: 0>} : vector<16xi32>
    %broadcast_in_dim3A = arith.constant -3.40282347E+38 : f32
    %broadcast_in_dim3A_5 = vector.broadcast %broadcast_in_dim3A : f32 to vector<16xf32>
    %parallel_loop3A = arith.constant 0 : i32
    %parallel_loop3A_6 = arith.constant 4096 : i32
    %parallel_loop3A_7 = arith.constant 16 : i32
    scf.for %parallel_loop3A_492 = %parallel_loop3A to %parallel_loop3A_6 step %parallel_loop3A_7  : i32 {
      %parallel_loop3A_493 = arith.index_cast %parallel_loop3A_492 : i32 to index
      %parallel_loop3A_494 = tpu.vector_load %arg7[%parallel_loop3A_493] {strides = array<i32>} : memref<4096xi32, #tpu.memory_space<vmem>>, vector<16xi32>,
      %parallel_loop3A_495 = vector.broadcast %mul3A_2 : i32 to vector<16xi32>
      %parallel_loop3A_496 = arith.subi %parallel_loop3A_494, %parallel_loop3A_495 : vector<16xi32>
      %parallel_loop3A_497 = arith.constant 0 : i32
      %parallel_loop3A_498 = vector.broadcast %parallel_loop3A_497 : i32 to vector<16xi32>
      %parallel_loop3A_499 = arith.cmpi sge, %parallel_loop3A_496, %parallel_loop3A_498 : vector<16xi32>
      %parallel_loop3A_500 = arith.constant 65536 : i32
      %parallel_loop3A_501 = vector.broadcast %parallel_loop3A_500 : i32 to vector<16xi32>
      %parallel_loop3A_502 = arith.cmpi slt, %parallel_loop3A_496, %parallel_loop3A_501 : vector<16xi32>
      %parallel_loop3A_503 = arith.andi %parallel_loop3A_499, %parallel_loop3A_502 : vector<16xi1>
      %parallel_loop3A_504 = arith.constant 0 : i32
      %parallel_loop3A_505 = vector.broadcast %parallel_loop3A_504 : i32 to vector<16xi32>
      %parallel_loop3A_506 = arith.select %parallel_loop3A_503, %parallel_loop3A_496, %parallel_loop3A_505 : vector<16xi1>, vector<16xi32>
      tpu.vector_store_idx %arg6[%parallel_loop3A_506], %broadcast_in_dim3A_5 masked %parallel_loop3A_503 : memref<65536xf32, #tpu.memory_space<vmem>>[vector<16xi32>], vector<16xf32>, vector<16xi1>
    } {sc.loop_unroll_factor = 4 : i64, sc.parallel_access}
    %broadcast_in_dim3A_8 = arith.constant 0.000000e+00 : f32
    %broadcast_in_dim3A_9 = vector.broadcast %broadcast_in_dim3A_8 : f32 to vector<16xf32>
    %broadcast_in_dim3A_10 = arith.constant 0 : i32
    %broadcast_in_dim3A_11 = vector.broadcast %broadcast_in_dim3A_10 : i32 to vector<16xi32>
    %broadcast_in_dim3A_12 = arith.constant 0xFF800000 : f32
    %broadcast_in_dim3A_13 = vector.broadcast %broadcast_in_dim3A_12 : f32 to vector<16xf32>
    %broadcast_in_dim3A_14 = arith.constant 0xFF800000 : f32
    %broadcast_in_dim3A_15 = vector.broadcast %broadcast_in_dim3A_14 : f32 to vector<16xf32>
    %broadcast_in_dim3A_16 = arith.constant 0xFF800000 : f32
    %broadcast_in_dim3A_17 = vector.broadcast %broadcast_in_dim3A_16 : f32 to vector<16xf32>
    %broadcast_in_dim3A_18 = arith.constant 0xFF800000 : f32
    %broadcast_in_dim3A_19 = vector.broadcast %broadcast_in_dim3A_18 : f32 to vector<16xf32>
    %broadcast_in_dim3A_20 = arith.constant 0xFF800000 : f32
    %broadcast_in_dim3A_21 = vector.broadcast %broadcast_in_dim3A_20 : f32 to vector<16xf32>
    %broadcast_in_dim3A_22 = arith.constant 0xFF800000 : f32
    %broadcast_in_dim3A_23 = vector.broadcast %broadcast_in_dim3A_22 : f32 to vector<16xf32>
    %broadcast_in_dim3A_24 = arith.constant 0xFF800000 : f32
    %broadcast_in_dim3A_25 = vector.broadcast %broadcast_in_dim3A_24 : f32 to vector<16xf32>
    %broadcast_in_dim3A_26 = arith.constant 0xFF800000 : f32
    %broadcast_in_dim3A_27 = vector.broadcast %broadcast_in_dim3A_26 : f32 to vector<16xf32>
    %broadcast_in_dim3A_28 = arith.constant 0 : i32
    %broadcast_in_dim3A_29 = vector.broadcast %broadcast_in_dim3A_28 : i32 to vector<16xi32>
    %broadcast_in_dim3A_30 = arith.constant 0 : i32
    %broadcast_in_dim3A_31 = vector.broadcast %broadcast_in_dim3A_30 : i32 to vector<16xi32>
    %broadcast_in_dim3A_32 = arith.constant 0 : i32
    %broadcast_in_dim3A_33 = vector.broadcast %broadcast_in_dim3A_32 : i32 to vector<16xi32>
    %broadcast_in_dim3A_34 = arith.constant 0 : i32
    %broadcast_in_dim3A_35 = vector.broadcast %broadcast_in_dim3A_34 : i32 to vector<16xi32>
    %broadcast_in_dim3A_36 = arith.constant 0 : i32
    %broadcast_in_dim3A_37 = vector.broadcast %broadcast_in_dim3A_36 : i32 to vector<16xi32>
    %broadcast_in_dim3A_38 = arith.constant 0 : i32
    %broadcast_in_dim3A_39 = vector.broadcast %broadcast_in_dim3A_38 : i32 to vector<16xi32>
    %broadcast_in_dim3A_40 = arith.constant 0 : i32
    %broadcast_in_dim3A_41 = vector.broadcast %broadcast_in_dim3A_40 : i32 to vector<16xi32>
    %broadcast_in_dim3A_42 = arith.constant 0 : i32
    %broadcast_in_dim3A_43 = vector.broadcast %broadcast_in_dim3A_42 : i32 to vector<16xi32>
    %broadcast_in_dim3A_44 = arith.constant 0 : i32
    %broadcast_in_dim3A_45 = vector.broadcast %broadcast_in_dim3A_44 : i32 to vector<16xi32>
    %parallel_loop3A_46 = arith.constant 0 : i32
    %parallel_loop3A_47 = arith.constant 32768 : i32
    %parallel_loop3A_48 = arith.constant 512 : i32
    %parallel_loop3A_49:17 = scf.for %parallel_loop3A_492 = %parallel_loop3A_46 to %parallel_loop3A_47 step %parallel_loop3A_48 iter_args(%parallel_loop3A_493 = %broadcast_in_dim3A_13, %parallel_loop3A_494 = %broadcast_in_dim3A_15, %parallel_loop3A_495 = %broadcast_in_dim3A_17, %parallel_loop3A_496 = %broadcast_in_dim3A_19, %parallel_loop3A_497 = %broadcast_in_dim3A_21, %parallel_loop3A_498 = %broadcast_in_dim3A_23, %parallel_loop3A_499 = %broadcast_in_dim3A_25, %parallel_loop3A_500 = %broadcast_in_dim3A_27, %parallel_loop3A_501 = %broadcast_in_dim3A_29, %parallel_loop3A_502 = %broadcast_in_dim3A_31, %parallel_loop3A_503 = %broadcast_in_dim3A_33, %parallel_loop3A_504 = %broadcast_in_dim3A_35, %parallel_loop3A_505 = %broadcast_in_dim3A_37, %parallel_loop3A_506 = %broadcast_in_dim3A_39, %parallel_loop3A_507 = %broadcast_in_dim3A_41, %parallel_loop3A_508 = %broadcast_in_dim3A_43, %parallel_loop3A_509 = %broadcast_in_dim3A_45) -> (vector<16xf32>, vector<16xf32>, vector<16xf32>, vector<16xf32>, vector<16xf32>, vector<16xf32>, vector<16xf32>, vector<16xf32>, vector<16xi32>, vector<16xi32>, vector<16xi32>, vector<16xi32>, vector<16xi32>, vector<16xi32>, vector<16xi32>, vector<16xi32>, vector<16xi32>)  : i32 {
      %parallel_loop3A_510 = arith.constant 0 : i32
      %parallel_loop3A_511 = arith.addi %parallel_loop3A_492, %parallel_loop3A_510 : i32
      %parallel_loop3A_512 = arith.constant 0 : i32
      %parallel_loop3A_513 = arith.addi %parallel_loop3A_512, %parallel_loop3A_511 : i32
      %parallel_loop3A_514 = arith.index_cast %parallel_loop3A_513 : i32 to index
      %parallel_loop3A_515 = tpu.vector_load %arg6[%parallel_loop3A_514] {strides = array<i32>} : memref<65536xf32, #tpu.memory_space<vmem>>, vector<16xf32>,
      %parallel_loop3A_516 = arith.constant 0 : i32
      %parallel_loop3A_517 = arith.addi %parallel_loop3A_516, %parallel_loop3A_511 : i32
      %parallel_loop3A_518 = arith.constant 16 : i32
      %parallel_loop3A_519 = arith.addi %parallel_loop3A_517, %parallel_loop3A_518 : i32
      %parallel_loop3A_520 = arith.index_cast %parallel_loop3A_519 : i32 to index
      %parallel_loop3A_521 = tpu.vector_load %arg6[%parallel_loop3A_520] {strides = array<i32>} : memref<65536xf32, #tpu.memory_space<vmem>>, vector<16xf32>,
      %parallel_loop3A_522 = arith.maximumf %parallel_loop3A_515, %parallel_loop3A_521 : vector<16xf32>
      %parallel_loop3A_523 = arith.constant 0 : i32
      %parallel_loop3A_524 = arith.addi %parallel_loop3A_523, %parallel_loop3A_511 : i32
      %parallel_loop3A_525 = arith.constant 32 : i32
      %parallel_loop3A_526 = arith.addi %parallel_loop3A_524, %parallel_loop3A_525 : i32
      %parallel_loop3A_527 = arith.index_cast %parallel_loop3A_526 : i32 to index
      %parallel_loop3A_528 = tpu.vector_load %arg6[%parallel_loop3A_527] {strides = array<i32>} : memref<65536xf32, #tpu.memory_space<vmem>>, vector<16xf32>,
      %parallel_loop3A_529 = arith.constant 0 : i32
      %parallel_loop3A_530 = arith.addi %parallel_loop3A_529, %parallel_loop3A_511 : i32
      %parallel_loop3A_531 = arith.constant 48 : i32
      %parallel_loop3A_532 = arith.addi %parallel_loop3A_530, %parallel_loop3A_531 : i32
      %parallel_loop3A_533 = arith.index_cast %parallel_loop3A_532 : i32 to index
      %parallel_loop3A_534 = tpu.vector_load %arg6[%parallel_loop3A_533] {strides = array<i32>} : memref<65536xf32, #tpu.memory_space<vmem>>, vector<16xf32>,
      %parallel_loop3A_535 = arith.maximumf %parallel_loop3A_528, %parallel_loop3A_534 : vector<16xf32>
      %parallel_loop3A_536 = arith.maximumf %parallel_loop3A_522, %parallel_loop3A_535 : vector<16xf32>
      %parallel_loop3A_537 = arith.cmpf ogt, %parallel_loop3A_536, %parallel_loop3A_493 : vector<16xf32>
      %parallel_loop3A_538 = arith.select %parallel_loop3A_537, %parallel_loop3A_536, %parallel_loop3A_493 : vector<16xi1>, vector<16xf32>
      %parallel_loop3A_539 = arith.select %parallel_loop3A_537, %parallel_loop3A_509, %parallel_loop3A_501 : vector<16xi1>, vector<16xi32>
      %parallel_loop3A_540 = arith.constant 64 : i32
      %parallel_loop3A_541 = arith.addi %parallel_loop3A_492, %parallel_loop3A_540 : i32
      %parallel_loop3A_542 = arith.constant 0 : i32
      %parallel_loop3A_543 = arith.addi %parallel_loop3A_542, %parallel_loop3A_541 : i32
      %parallel_loop3A_544 = arith.index_cast %parallel_loop3A_543 : i32 to index
      %parallel_loop3A_545 = tpu.vector_load %arg6[%parallel_loop3A_544] {strides = array<i32>} : memref<65536xf32, #tpu.memory_space<vmem>>, vector<16xf32>,
      %parallel_loop3A_546 = arith.constant 0 : i32
      %parallel_loop3A_547 = arith.addi %parallel_loop3A_546, %parallel_loop3A_541 : i32
      %parallel_loop3A_548 = arith.constant 16 : i32
      %parallel_loop3A_549 = arith.addi %parallel_loop3A_547, %parallel_loop3A_548 : i32
      %parallel_loop3A_550 = arith.index_cast %parallel_loop3A_549 : i32 to index
      %parallel_loop3A_551 = tpu.vector_load %arg6[%parallel_loop3A_550] {strides = array<i32>} : memref<65536xf32, #tpu.memory_space<vmem>>, vector<16xf32>,
      %parallel_loop3A_552 = arith.maximumf %parallel_loop3A_545, %parallel_loop3A_551 : vector<16xf32>
      %parallel_loop3A_553 = arith.constant 0 : i32
      %parallel_loop3A_554 = arith.addi %parallel_loop3A_553, %parallel_loop3A_541 : i32
      %parallel_loop3A_555 = arith.constant 32 : i32
      %parallel_loop3A_556 = arith.addi %parallel_loop3A_554, %parallel_loop3A_555 : i32
      %parallel_loop3A_557 = arith.index_cast %parallel_loop3A_556 : i32 to index
      %parallel_loop3A_558 = tpu.vector_load %arg6[%parallel_loop3A_557] {strides = array<i32>} : memref<65536xf32, #tpu.memory_space<vmem>>, vector<16xf32>,
      %parallel_loop3A_559 = arith.constant 0 : i32
      %parallel_loop3A_560 = arith.addi %parallel_loop3A_559, %parallel_loop3A_541 : i32
      %parallel_loop3A_561 = arith.constant 48 : i32
      %parallel_loop3A_562 = arith.addi %parallel_loop3A_560, %parallel_loop3A_561 : i32
      %parallel_loop3A_563 = arith.index_cast %parallel_loop3A_562 : i32 to index
      %parallel_loop3A_564 = tpu.vector_load %arg6[%parallel_loop3A_563] {strides = array<i32>} : memref<65536xf32, #tpu.memory_space<vmem>>, vector<16xf32>,
      %parallel_loop3A_565 = arith.maximumf %parallel_loop3A_558, %parallel_loop3A_564 : vector<16xf32>
      %parallel_loop3A_566 = arith.maximumf %parallel_loop3A_552, %parallel_loop3A_565 : vector<16xf32>
      %parallel_loop3A_567 = arith.cmpf ogt, %parallel_loop3A_566, %parallel_loop3A_494 : vector<16xf32>
      %parallel_loop3A_568 = arith.select %parallel_loop3A_567, %parallel_loop3A_566, %parallel_loop3A_494 : vector<16xi1>, vector<16xf32>
      %parallel_loop3A_569 = arith.select %parallel_loop3A_567, %parallel_loop3A_509, %parallel_loop3A_502 : vector<16xi1>, vector<16xi32>
      %parallel_loop3A_570 = arith.constant 128 : i32
      %parallel_loop3A_571 = arith.addi %parallel_loop3A_492, %parallel_loop3A_570 : i32
      %parallel_loop3A_572 = arith.constant 0 : i32
      %parallel_loop3A_573 = arith.addi %parallel_loop3A_572, %parallel_loop3A_571 : i32
      %parallel_loop3A_574 = arith.index_cast %parallel_loop3A_573 : i32 to index
      %parallel_loop3A_575 = tpu.vector_load %arg6[%parallel_loop3A_574] {strides = array<i32>} : memref<65536xf32, #tpu.memory_space<vmem>>, vector<16xf32>,
      %parallel_loop3A_576 = arith.constant 0 : i32
      %parallel_loop3A_577 = arith.addi %parallel_loop3A_576, %parallel_loop3A_571 : i32
      %parallel_loop3A_578 = arith.constant 16 : i32
      %parallel_loop3A_579 = arith.addi %parallel_loop3A_577, %parallel_loop3A_578 : i32
      %parallel_loop3A_580 = arith.index_cast %parallel_loop3A_579 : i32 to index
      %parallel_loop3A_581 = tpu.vector_load %arg6[%parallel_loop3A_580] {strides = array<i32>} : memref<65536xf32, #tpu.memory_space<vmem>>, vector<16xf32>,
      %parallel_loop3A_582 = arith.maximumf %parallel_loop3A_575, %parallel_loop3A_581 : vector<16xf32>
      %parallel_loop3A_583 = arith.constant 0 : i32
      %parallel_loop3A_584 = arith.addi %parallel_loop3A_583, %parallel_loop3A_571 : i32
      %parallel_loop3A_585 = arith.constant 32 : i32
      %parallel_loop3A_586 = arith.addi %parallel_loop3A_584, %parallel_loop3A_585 : i32
      %parallel_loop3A_587 = arith.index_cast %parallel_loop3A_586 : i32 to index
      %parallel_loop3A_588 = tpu.vector_load %arg6[%parallel_loop3A_587] {strides = array<i32>} : memref<65536xf32, #tpu.memory_space<vmem>>, vector<16xf32>,
      %parallel_loop3A_589 = arith.constant 0 : i32
      %parallel_loop3A_590 = arith.addi %parallel_loop3A_589, %parallel_loop3A_571 : i32
      %parallel_loop3A_591 = arith.constant 48 : i32
      %parallel_loop3A_592 = arith.addi %parallel_loop3A_590, %parallel_loop3A_591 : i32
      %parallel_loop3A_593 = arith.index_cast %parallel_loop3A_592 : i32 to index
      %parallel_loop3A_594 = tpu.vector_load %arg6[%parallel_loop3A_593] {strides = array<i32>} : memref<65536xf32, #tpu.memory_space<vmem>>, vector<16xf32>,
      %parallel_loop3A_595 = arith.maximumf %parallel_loop3A_588, %parallel_loop3A_594 : vector<16xf32>
      %parallel_loop3A_596 = arith.maximumf %parallel_loop3A_582, %parallel_loop3A_595 : vector<16xf32>
      %parallel_loop3A_597 = arith.cmpf ogt, %parallel_loop3A_596, %parallel_loop3A_495 : vector<16xf32>
      %parallel_loop3A_598 = arith.select %parallel_loop3A_597, %parallel_loop3A_596, %parallel_loop3A_495 : vector<16xi1>, vector<16xf32>
      %parallel_loop3A_599 = arith.select %parallel_loop3A_597, %parallel_loop3A_509, %parallel_loop3A_503 : vector<16xi1>, vector<16xi32>
      %parallel_loop3A_600 = arith.constant 192 : i32
      %parallel_loop3A_601 = arith.addi %parallel_loop3A_492, %parallel_loop3A_600 : i32
      %parallel_loop3A_602 = arith.constant 0 : i32
      %parallel_loop3A_603 = arith.addi %parallel_loop3A_602, %parallel_loop3A_601 : i32
      %parallel_loop3A_604 = arith.index_cast %parallel_loop3A_603 : i32 to index
      %parallel_loop3A_605 = tpu.vector_load %arg6[%parallel_loop3A_604] {strides = array<i32>} : memref<65536xf32, #tpu.memory_space<vmem>>, vector<16xf32>,
      %parallel_loop3A_606 = arith.constant 0 : i32
      %parallel_loop3A_607 = arith.addi %parallel_loop3A_606, %parallel_loop3A_601 : i32
      %parallel_loop3A_608 = arith.constant 16 : i32
      %parallel_loop3A_609 = arith.addi %parallel_loop3A_607, %parallel_loop3A_608 : i32
      %parallel_loop3A_610 = arith.index_cast %parallel_loop3A_609 : i32 to index
      %parallel_loop3A_611 = tpu.vector_load %arg6[%parallel_loop3A_610] {strides = array<i32>} : memref<65536xf32, #tpu.memory_space<vmem>>, vector<16xf32>,
      %parallel_loop3A_612 = arith.maximumf %parallel_loop3A_605, %parallel_loop3A_611 : vector<16xf32>
      %parallel_loop3A_613 = arith.constant 0 : i32
      %parallel_loop3A_614 = arith.addi %parallel_loop3A_613, %parallel_loop3A_601 : i32
      %parallel_loop3A_615 = arith.constant 32 : i32
      %parallel_loop3A_616 = arith.addi %parallel_loop3A_614, %parallel_loop3A_615 : i32
      %parallel_loop3A_617 = arith.index_cast %parallel_loop3A_616 : i32 to index
      %parallel_loop3A_618 = tpu.vector_load %arg6[%parallel_loop3A_617] {strides = array<i32>} : memref<65536xf32, #tpu.memory_space<vmem>>, vector<16xf32>,
      %parallel_loop3A_619 = arith.constant 0 : i32
      %parallel_loop3A_620 = arith.addi %parallel_loop3A_619, %parallel_loop3A_601 : i32
      %parallel_loop3A_621 = arith.constant 48 : i32
      %parallel_loop3A_622 = arith.addi %parallel_loop3A_620, %parallel_loop3A_621 : i32
      %parallel_loop3A_623 = arith.index_cast %parallel_loop3A_622 : i32 to index
      %parallel_loop3A_624 = tpu.vector_load %arg6[%parallel_loop3A_623] {strides = array<i32>} : memref<65536xf32, #tpu.memory_space<vmem>>, vector<16xf32>,
      %parallel_loop3A_625 = arith.maximumf %parallel_loop3A_618, %parallel_loop3A_624 : vector<16xf32>
      %parallel_loop3A_626 = arith.maximumf %parallel_loop3A_612, %parallel_loop3A_625 : vector<16xf32>
      %parallel_loop3A_627 = arith.cmpf ogt, %parallel_loop3A_626, %parallel_loop3A_496 : vector<16xf32>
      %parallel_loop3A_628 = arith.select %parallel_loop3A_627, %parallel_loop3A_626, %parallel_loop3A_496 : vector<16xi1>, vector<16xf32>
      %parallel_loop3A_629 = arith.select %parallel_loop3A_627, %parallel_loop3A_509, %parallel_loop3A_504 : vector<16xi1>, vector<16xi32>
      %parallel_loop3A_630 = arith.constant 256 : i32
      %parallel_loop3A_631 = arith.addi %parallel_loop3A_492, %parallel_loop3A_630 : i32
      %parallel_loop3A_632 = arith.constant 0 : i32
      %parallel_loop3A_633 = arith.addi %parallel_loop3A_632, %parallel_loop3A_631 : i32
      %parallel_loop3A_634 = arith.index_cast %parallel_loop3A_633 : i32 to index
      %parallel_loop3A_635 = tpu.vector_load %arg6[%parallel_loop3A_634] {strides = array<i32>} : memref<65536xf32, #tpu.memory_space<vmem>>, vector<16xf32>,
      %parallel_loop3A_636 = arith.constant 0 : i32
      %parallel_loop3A_637 = arith.addi %parallel_loop3A_636, %parallel_loop3A_631 : i32
      %parallel_loop3A_638 = arith.constant 16 : i32
      %parallel_loop3A_639 = arith.addi %parallel_loop3A_637, %parallel_loop3A_638 : i32
      %parallel_loop3A_640 = arith.index_cast %parallel_loop3A_639 : i32 to index
      %parallel_loop3A_641 = tpu.vector_load %arg6[%parallel_loop3A_640] {strides = array<i32>} : memref<65536xf32, #tpu.memory_space<vmem>>, vector<16xf32>,
      %parallel_loop3A_642 = arith.maximumf %parallel_loop3A_635, %parallel_loop3A_641 : vector<16xf32>
      %parallel_loop3A_643 = arith.constant 0 : i32
      %parallel_loop3A_644 = arith.addi %parallel_loop3A_643, %parallel_loop3A_631 : i32
      %parallel_loop3A_645 = arith.constant 32 : i32
      %parallel_loop3A_646 = arith.addi %parallel_loop3A_644, %parallel_loop3A_645 : i32
      %parallel_loop3A_647 = arith.index_cast %parallel_loop3A_646 : i32 to index
      %parallel_loop3A_648 = tpu.vector_load %arg6[%parallel_loop3A_647] {strides = array<i32>} : memref<65536xf32, #tpu.memory_space<vmem>>, vector<16xf32>,
      %parallel_loop3A_649 = arith.constant 0 : i32
      %parallel_loop3A_650 = arith.addi %parallel_loop3A_649, %parallel_loop3A_631 : i32
      %parallel_loop3A_651 = arith.constant 48 : i32
      %parallel_loop3A_652 = arith.addi %parallel_loop3A_650, %parallel_loop3A_651 : i32
      %parallel_loop3A_653 = arith.index_cast %parallel_loop3A_652 : i32 to index
      %parallel_loop3A_654 = tpu.vector_load %arg6[%parallel_loop3A_653] {strides = array<i32>} : memref<65536xf32, #tpu.memory_space<vmem>>, vector<16xf32>,
      %parallel_loop3A_655 = arith.maximumf %parallel_loop3A_648, %parallel_loop3A_654 : vector<16xf32>
      %parallel_loop3A_656 = arith.maximumf %parallel_loop3A_642, %parallel_loop3A_655 : vector<16xf32>
      %parallel_loop3A_657 = arith.cmpf ogt, %parallel_loop3A_656, %parallel_loop3A_497 : vector<16xf32>
      %parallel_loop3A_658 = arith.select %parallel_loop3A_657, %parallel_loop3A_656, %parallel_loop3A_497 : vector<16xi1>, vector<16xf32>
      %parallel_loop3A_659 = arith.select %parallel_loop3A_657, %parallel_loop3A_509, %parallel_loop3A_505 : vector<16xi1>, vector<16xi32>
      %parallel_loop3A_660 = arith.constant 320 : i32
      %parallel_loop3A_661 = arith.addi %parallel_loop3A_492, %parallel_loop3A_660 : i32
      %parallel_loop3A_662 = arith.constant 0 : i32
      %parallel_loop3A_663 = arith.addi %parallel_loop3A_662, %parallel_loop3A_661 : i32
      %parallel_loop3A_664 = arith.index_cast %parallel_loop3A_663 : i32 to index
      %parallel_loop3A_665 = tpu.vector_load %arg6[%parallel_loop3A_664] {strides = array<i32>} : memref<65536xf32, #tpu.memory_space<vmem>>, vector<16xf32>,
      %parallel_loop3A_666 = arith.constant 0 : i32
      %parallel_loop3A_667 = arith.addi %parallel_loop3A_666, %parallel_loop3A_661 : i32
      %parallel_loop3A_668 = arith.constant 16 : i32
      %parallel_loop3A_669 = arith.addi %parallel_loop3A_667, %parallel_loop3A_668 : i32
      %parallel_loop3A_670 = arith.index_cast %parallel_loop3A_669 : i32 to index
      %parallel_loop3A_671 = tpu.vector_load %arg6[%parallel_loop3A_670] {strides = array<i32>} : memref<65536xf32, #tpu.memory_space<vmem>>, vector<16xf32>,
      %parallel_loop3A_672 = arith.maximumf %parallel_loop3A_665, %parallel_loop3A_671 : vector<16xf32>
      %parallel_loop3A_673 = arith.constant 0 : i32
      %parallel_loop3A_674 = arith.addi %parallel_loop3A_673, %parallel_loop3A_661 : i32
      %parallel_loop3A_675 = arith.constant 32 : i32
      %parallel_loop3A_676 = arith.addi %parallel_loop3A_674, %parallel_loop3A_675 : i32
      %parallel_loop3A_677 = arith.index_cast %parallel_loop3A_676 : i32 to index
      %parallel_loop3A_678 = tpu.vector_load %arg6[%parallel_loop3A_677] {strides = array<i32>} : memref<65536xf32, #tpu.memory_space<vmem>>, vector<16xf32>,
      %parallel_loop3A_679 = arith.constant 0 : i32
      %parallel_loop3A_680 = arith.addi %parallel_loop3A_679, %parallel_loop3A_661 : i32
      %parallel_loop3A_681 = arith.constant 48 : i32
      %parallel_loop3A_682 = arith.addi %parallel_loop3A_680, %parallel_loop3A_681 : i32
      %parallel_loop3A_683 = arith.index_cast %parallel_loop3A_682 : i32 to index
      %parallel_loop3A_684 = tpu.vector_load %arg6[%parallel_loop3A_683] {strides = array<i32>} : memref<65536xf32, #tpu.memory_space<vmem>>, vector<16xf32>,
      %parallel_loop3A_685 = arith.maximumf %parallel_loop3A_678, %parallel_loop3A_684 : vector<16xf32>
      %parallel_loop3A_686 = arith.maximumf %parallel_loop3A_672, %parallel_loop3A_685 : vector<16xf32>
      %parallel_loop3A_687 = arith.cmpf ogt, %parallel_loop3A_686, %parallel_loop3A_498 : vector<16xf32>
      %parallel_loop3A_688 = arith.select %parallel_loop3A_687, %parallel_loop3A_686, %parallel_loop3A_498 : vector<16xi1>, vector<16xf32>
      %parallel_loop3A_689 = arith.select %parallel_loop3A_687, %parallel_loop3A_509, %parallel_loop3A_506 : vector<16xi1>, vector<16xi32>
      %parallel_loop3A_690 = arith.constant 384 : i32
      %parallel_loop3A_691 = arith.addi %parallel_loop3A_492, %parallel_loop3A_690 : i32
      %parallel_loop3A_692 = arith.constant 0 : i32
      %parallel_loop3A_693 = arith.addi %parallel_loop3A_692, %parallel_loop3A_691 : i32
      %parallel_loop3A_694 = arith.index_cast %parallel_loop3A_693 : i32 to index
      %parallel_loop3A_695 = tpu.vector_load %arg6[%parallel_loop3A_694] {strides = array<i32>} : memref<65536xf32, #tpu.memory_space<vmem>>, vector<16xf32>,
      %parallel_loop3A_696 = arith.constant 0 : i32
      %parallel_loop3A_697 = arith.addi %parallel_loop3A_696, %parallel_loop3A_691 : i32
      %parallel_loop3A_698 = arith.constant 16 : i32
      %parallel_loop3A_699 = arith.addi %parallel_loop3A_697, %parallel_loop3A_698 : i32
      %parallel_loop3A_700 = arith.index_cast %parallel_loop3A_699 : i32 to index
      %parallel_loop3A_701 = tpu.vector_load %arg6[%parallel_loop3A_700] {strides = array<i32>} : memref<65536xf32, #tpu.memory_space<vmem>>, vector<16xf32>,
      %parallel_loop3A_702 = arith.maximumf %parallel_loop3A_695, %parallel_loop3A_701 : vector<16xf32>
      %parallel_loop3A_703 = arith.constant 0 : i32
      %parallel_loop3A_704 = arith.addi %parallel_loop3A_703, %parallel_loop3A_691 : i32
      %parallel_loop3A_705 = arith.constant 32 : i32
      %parallel_loop3A_706 = arith.addi %parallel_loop3A_704, %parallel_loop3A_705 : i32
      %parallel_loop3A_707 = arith.index_cast %parallel_loop3A_706 : i32 to index
      %parallel_loop3A_708 = tpu.vector_load %arg6[%parallel_loop3A_707] {strides = array<i32>} : memref<65536xf32, #tpu.memory_space<vmem>>, vector<16xf32>,
      %parallel_loop3A_709 = arith.constant 0 : i32
      %parallel_loop3A_710 = arith.addi %parallel_loop3A_709, %parallel_loop3A_691 : i32
      %parallel_loop3A_711 = arith.constant 48 : i32
      %parallel_loop3A_712 = arith.addi %parallel_loop3A_710, %parallel_loop3A_711 : i32
      %parallel_loop3A_713 = arith.index_cast %parallel_loop3A_712 : i32 to index
      %parallel_loop3A_714 = tpu.vector_load %arg6[%parallel_loop3A_713] {strides = array<i32>} : memref<65536xf32, #tpu.memory_space<vmem>>, vector<16xf32>,
      %parallel_loop3A_715 = arith.maximumf %parallel_loop3A_708, %parallel_loop3A_714 : vector<16xf32>
      %parallel_loop3A_716 = arith.maximumf %parallel_loop3A_702, %parallel_loop3A_715 : vector<16xf32>
      %parallel_loop3A_717 = arith.cmpf ogt, %parallel_loop3A_716, %parallel_loop3A_499 : vector<16xf32>
      %parallel_loop3A_718 = arith.select %parallel_loop3A_717, %parallel_loop3A_716, %parallel_loop3A_499 : vector<16xi1>, vector<16xf32>
      %parallel_loop3A_719 = arith.select %parallel_loop3A_717, %parallel_loop3A_509, %parallel_loop3A_507 : vector<16xi1>, vector<16xi32>
      %parallel_loop3A_720 = arith.constant 448 : i32
      %parallel_loop3A_721 = arith.addi %parallel_loop3A_492, %parallel_loop3A_720 : i32
      %parallel_loop3A_722 = arith.constant 0 : i32
      %parallel_loop3A_723 = arith.addi %parallel_loop3A_722, %parallel_loop3A_721 : i32
      %parallel_loop3A_724 = arith.index_cast %parallel_loop3A_723 : i32 to index
      %parallel_loop3A_725 = tpu.vector_load %arg6[%parallel_loop3A_724] {strides = array<i32>} : memref<65536xf32, #tpu.memory_space<vmem>>, vector<16xf32>,
      %parallel_loop3A_726 = arith.constant 0 : i32
      %parallel_loop3A_727 = arith.addi %parallel_loop3A_726, %parallel_loop3A_721 : i32
      %parallel_loop3A_728 = arith.constant 16 : i32
      %parallel_loop3A_729 = arith.addi %parallel_loop3A_727, %parallel_loop3A_728 : i32
      %parallel_loop3A_730 = arith.index_cast %parallel_loop3A_729 : i32 to index
      %parallel_loop3A_731 = tpu.vector_load %arg6[%parallel_loop3A_730] {strides = array<i32>} : memref<65536xf32, #tpu.memory_space<vmem>>, vector<16xf32>,
      %parallel_loop3A_732 = arith.maximumf %parallel_loop3A_725, %parallel_loop3A_731 : vector<16xf32>
      %parallel_loop3A_733 = arith.constant 0 : i32
      %parallel_loop3A_734 = arith.addi %parallel_loop3A_733, %parallel_loop3A_721 : i32
      %parallel_loop3A_735 = arith.constant 32 : i32
      %parallel_loop3A_736 = arith.addi %parallel_loop3A_734, %parallel_loop3A_735 : i32
      %parallel_loop3A_737 = arith.index_cast %parallel_loop3A_736 : i32 to index
      %parallel_loop3A_738 = tpu.vector_load %arg6[%parallel_loop3A_737] {strides = array<i32>} : memref<65536xf32, #tpu.memory_space<vmem>>, vector<16xf32>,
      %parallel_loop3A_739 = arith.constant 0 : i32
      %parallel_loop3A_740 = arith.addi %parallel_loop3A_739, %parallel_loop3A_721 : i32
      %parallel_loop3A_741 = arith.constant 48 : i32
      %parallel_loop3A_742 = arith.addi %parallel_loop3A_740, %parallel_loop3A_741 : i32
      %parallel_loop3A_743 = arith.index_cast %parallel_loop3A_742 : i32 to index
      %parallel_loop3A_744 = tpu.vector_load %arg6[%parallel_loop3A_743] {strides = array<i32>} : memref<65536xf32, #tpu.memory_space<vmem>>, vector<16xf32>,
      %parallel_loop3A_745 = arith.maximumf %parallel_loop3A_738, %parallel_loop3A_744 : vector<16xf32>
      %parallel_loop3A_746 = arith.maximumf %parallel_loop3A_732, %parallel_loop3A_745 : vector<16xf32>
      %parallel_loop3A_747 = arith.cmpf ogt, %parallel_loop3A_746, %parallel_loop3A_500 : vector<16xf32>
      %parallel_loop3A_748 = arith.select %parallel_loop3A_747, %parallel_loop3A_746, %parallel_loop3A_500 : vector<16xi1>, vector<16xf32>
      %parallel_loop3A_749 = arith.select %parallel_loop3A_747, %parallel_loop3A_509, %parallel_loop3A_508 : vector<16xi1>, vector<16xi32>
      %parallel_loop3A_750 = arith.constant 1 : i32
      %parallel_loop3A_751 = vector.broadcast %parallel_loop3A_750 : i32 to vector<16xi32>
      %parallel_loop3A_752 = arith.addi %parallel_loop3A_509, %parallel_loop3A_751 : vector<16xi32>
      scf.yield %parallel_loop3A_538, %parallel_loop3A_568, %parallel_loop3A_598, %parallel_loop3A_628, %parallel_loop3A_658, %parallel_loop3A_688, %parallel_loop3A_718, %parallel_loop3A_748, %parallel_loop3A_539, %parallel_loop3A_569, %parallel_loop3A_599, %parallel_loop3A_629, %parallel_loop3A_659, %parallel_loop3A_689, %parallel_loop3A_719, %parallel_loop3A_749, %parallel_loop3A_752 : vector<16xf32>, vector<16xf32>, vector<16xf32>, vector<16xf32>, vector<16xf32>, vector<16xf32>, vector<16xf32>, vector<16xf32>, vector<16xi32>, vector<16xi32>, vector<16xi32>, vector<16xi32>, vector<16xi32>, vector<16xi32>, vector<16xi32>, vector<16xi32>, vector<16xi32>
    } {sc.loop_unroll_factor = 1 : i64, sc.parallel_access}
    %mul3A_50 = arith.constant 8 : i32
    %mul3A_51 = vector.broadcast %mul3A_50 : i32 to vector<16xi32>
    %mul3A_52 = arith.muli %parallel_loop3A_49#8, %mul3A_51 : vector<16xi32>
    %add3A_53 = arith.constant 0 : i32
    %add3A_54 = vector.broadcast %add3A_53 : i32 to vector<16xi32>
    %add3A_55 = arith.addi %mul3A_52, %add3A_54 : vector<16xi32>
    %mul3A_56 = arith.constant 8 : i32
    %mul3A_57 = vector.broadcast %mul3A_56 : i32 to vector<16xi32>
    %mul3A_58 = arith.muli %parallel_loop3A_49#9, %mul3A_57 : vector<16xi32>
    %add3A_59 = arith.constant 1 : i32
    %add3A_60 = vector.broadcast %add3A_59 : i32 to vector<16xi32>
    %add3A_61 = arith.addi %mul3A_58, %add3A_60 : vector<16xi32>
    %mul3A_62 = arith.constant 8 : i32
    %mul3A_63 = vector.broadcast %mul3A_62 : i32 to vector<16xi32>
    %mul3A_64 = arith.muli %parallel_loop3A_49#10, %mul3A_63 : vector<16xi32>
    %add3A_65 = arith.constant 2 : i32
    %add3A_66 = vector.broadcast %add3A_65 : i32 to vector<16xi32>
    %add3A_67 = arith.addi %mul3A_64, %add3A_66 : vector<16xi32>
    %mul3A_68 = arith.constant 8 : i32
    %mul3A_69 = vector.broadcast %mul3A_68 : i32 to vector<16xi32>
    %mul3A_70 = arith.muli %parallel_loop3A_49#11, %mul3A_69 : vector<16xi32>
    %add3A_71 = arith.constant 3 : i32
    %add3A_72 = vector.broadcast %add3A_71 : i32 to vector<16xi32>
    %add3A_73 = arith.addi %mul3A_70, %add3A_72 : vector<16xi32>
    %mul3A_74 = arith.constant 8 : i32
    %mul3A_75 = vector.broadcast %mul3A_74 : i32 to vector<16xi32>
    %mul3A_76 = arith.muli %parallel_loop3A_49#12, %mul3A_75 : vector<16xi32>
    %add3A_77 = arith.constant 4 : i32
    %add3A_78 = vector.broadcast %add3A_77 : i32 to vector<16xi32>
    %add3A_79 = arith.addi %mul3A_76, %add3A_78 : vector<16xi32>
    %mul3A_80 = arith.constant 8 : i32
    %mul3A_81 = vector.broadcast %mul3A_80 : i32 to vector<16xi32>
    %mul3A_82 = arith.muli %parallel_loop3A_49#13, %mul3A_81 : vector<16xi32>
    %add3A_83 = arith.constant 5 : i32
    %add3A_84 = vector.broadcast %add3A_83 : i32 to vector<16xi32>
    %add3A_85 = arith.addi %mul3A_82, %add3A_84 : vector<16xi32>
    %mul3A_86 = arith.constant 8 : i32
    %mul3A_87 = vector.broadcast %mul3A_86 : i32 to vector<16xi32>
    %mul3A_88 = arith.muli %parallel_loop3A_49#14, %mul3A_87 : vector<16xi32>
    %add3A_89 = arith.constant 6 : i32
    %add3A_90 = vector.broadcast %add3A_89 : i32 to vector<16xi32>
    %add3A_91 = arith.addi %mul3A_88, %add3A_90 : vector<16xi32>
    %mul3A_92 = arith.constant 8 : i32
    %mul3A_93 = vector.broadcast %mul3A_92 : i32 to vector<16xi32>
    %mul3A_94 = arith.muli %parallel_loop3A_49#15, %mul3A_93 : vector<16xi32>
    %add3A_95 = arith.constant 7 : i32
    %add3A_96 = vector.broadcast %add3A_95 : i32 to vector<16xi32>
    %add3A_97 = arith.addi %mul3A_94, %add3A_96 : vector<16xi32>
    %gt3A = arith.cmpf ogt, %parallel_loop3A_49#1, %parallel_loop3A_49#0 : vector<16xf32>
    %eq3A = arith.cmpf oeq, %parallel_loop3A_49#1, %parallel_loop3A_49#0 : vector<16xf32>
    %lt3A = arith.cmpi slt, %add3A_61, %add3A_55 : vector<16xi32>
    %and3A = arith.andi %eq3A, %lt3A : vector<16xi1>
    %or3A = arith.ori %gt3A, %and3A : vector<16xi1>
    %select_n3A = arith.select %or3A, %parallel_loop3A_49#1, %parallel_loop3A_49#0 : vector<16xi1>, vector<16xf32>
    %select_n3A_98 = arith.select %or3A, %add3A_61, %add3A_55 : vector<16xi1>, vector<16xi32>
    %gt3A_99 = arith.cmpf ogt, %parallel_loop3A_49#2, %select_n3A : vector<16xf32>
    %eq3A_100 = arith.cmpf oeq, %parallel_loop3A_49#2, %select_n3A : vector<16xf32>
    %lt3A_101 = arith.cmpi slt, %add3A_67, %select_n3A_98 : vector<16xi32>
    %and3A_102 = arith.andi %eq3A_100, %lt3A_101 : vector<16xi1>
    %or3A_103 = arith.ori %gt3A_99, %and3A_102 : vector<16xi1>
    %select_n3A_104 = arith.select %or3A_103, %parallel_loop3A_49#2, %select_n3A : vector<16xi1>, vector<16xf32>
    %select_n3A_105 = arith.select %or3A_103, %add3A_67, %select_n3A_98 : vector<16xi1>, vector<16xi32>
    %gt3A_106 = arith.cmpf ogt, %parallel_loop3A_49#3, %select_n3A_104 : vector<16xf32>
    %eq3A_107 = arith.cmpf oeq, %parallel_loop3A_49#3, %select_n3A_104 : vector<16xf32>
    %lt3A_108 = arith.cmpi slt, %add3A_73, %select_n3A_105 : vector<16xi32>
    %and3A_109 = arith.andi %eq3A_107, %lt3A_108 : vector<16xi1>
    %or3A_110 = arith.ori %gt3A_106, %and3A_109 : vector<16xi1>
    %select_n3A_111 = arith.select %or3A_110, %parallel_loop3A_49#3, %select_n3A_104 : vector<16xi1>, vector<16xf32>
    %select_n3A_112 = arith.select %or3A_110, %add3A_73, %select_n3A_105 : vector<16xi1>, vector<16xi32>
    %gt3A_113 = arith.cmpf ogt, %parallel_loop3A_49#4, %select_n3A_111 : vector<16xf32>
    %eq3A_114 = arith.cmpf oeq, %parallel_loop3A_49#4, %select_n3A_111 : vector<16xf32>
    %lt3A_115 = arith.cmpi slt, %add3A_79, %select_n3A_112 : vector<16xi32>
    %and3A_116 = arith.andi %eq3A_114, %lt3A_115 : vector<16xi1>
    %or3A_117 = arith.ori %gt3A_113, %and3A_116 : vector<16xi1>
    %select_n3A_118 = arith.select %or3A_117, %parallel_loop3A_49#4, %select_n3A_111 : vector<16xi1>, vector<16xf32>
    %select_n3A_119 = arith.select %or3A_117, %add3A_79, %select_n3A_112 : vector<16xi1>, vector<16xi32>
    %gt3A_120 = arith.cmpf ogt, %parallel_loop3A_49#5, %select_n3A_118 : vector<16xf32>
    %eq3A_121 = arith.cmpf oeq, %parallel_loop3A_49#5, %select_n3A_118 : vector<16xf32>
    %lt3A_122 = arith.cmpi slt, %add3A_85, %select_n3A_119 : vector<16xi32>
    %and3A_123 = arith.andi %eq3A_121, %lt3A_122 : vector<16xi1>
    %or3A_124 = arith.ori %gt3A_120, %and3A_123 : vector<16xi1>
    %select_n3A_125 = arith.select %or3A_124, %parallel_loop3A_49#5, %select_n3A_118 : vector<16xi1>, vector<16xf32>
    %select_n3A_126 = arith.select %or3A_124, %add3A_85, %select_n3A_119 : vector<16xi1>, vector<16xi32>
    %gt3A_127 = arith.cmpf ogt, %parallel_loop3A_49#6, %select_n3A_125 : vector<16xf32>
    %eq3A_128 = arith.cmpf oeq, %parallel_loop3A_49#6, %select_n3A_125 : vector<16xf32>
    %lt3A_129 = arith.cmpi slt, %add3A_91, %select_n3A_126 : vector<16xi32>
    %and3A_130 = arith.andi %eq3A_128, %lt3A_129 : vector<16xi1>
    %or3A_131 = arith.ori %gt3A_127, %and3A_130 : vector<16xi1>
    %select_n3A_132 = arith.select %or3A_131, %parallel_loop3A_49#6, %select_n3A_125 : vector<16xi1>, vector<16xf32>
    %select_n3A_133 = arith.select %or3A_131, %add3A_91, %select_n3A_126 : vector<16xi1>, vector<16xi32>
    %gt3A_134 = arith.cmpf ogt, %parallel_loop3A_49#7, %select_n3A_132 : vector<16xf32>
    %eq3A_135 = arith.cmpf oeq, %parallel_loop3A_49#7, %select_n3A_132 : vector<16xf32>
    %lt3A_136 = arith.cmpi slt, %add3A_97, %select_n3A_133 : vector<16xi32>
    %and3A_137 = arith.andi %eq3A_135, %lt3A_136 : vector<16xi1>
    %or3A_138 = arith.ori %gt3A_134, %and3A_137 : vector<16xi1>
    %select_n3A_139 = arith.select %or3A_138, %parallel_loop3A_49#7, %select_n3A_132 : vector<16xi1>, vector<16xf32>
    %select_n3A_140 = arith.select %or3A_138, %add3A_97, %select_n3A_133 : vector<16xi1>, vector<16xi32>
    %reduce_max3A = arith.constant true
    %reduce_max3A_141 = vector.broadcast %reduce_max3A : i1 to vector<16xi1>
    %reduce_max3A_142 = tpu.scan <max>, %select_n3A_139 masked %reduce_max3A_141 : vector<16xf32>, vector<16xi1> -> vector<16xf32>
    %reduce_max3A_143 = vector.extract %reduce_max3A_142[15] : f32 from vector<16xf32>
    %eq3A_144 = vector.broadcast %reduce_max3A_143 : f32 to vector<16xf32>
    %eq3A_145 = arith.cmpf oeq, %select_n3A_139, %eq3A_144 : vector<16xf32>
    %jit3A = arith.constant 1073741824 : i32
    %broadcast_in_dim3A_146 = vector.broadcast %jit3A : i32 to vector<16xi32>
    %select_n3A_147 = arith.select %eq3A_145, %select_n3A_140, %broadcast_in_dim3A_146 : vector<16xi1>, vector<16xi32>
    %reduce_min3A = arith.constant true
    %reduce_min3A_148 = vector.broadcast %reduce_min3A : i1 to vector<16xi1>
    %reduce_min3A_149 = arith.constant -2147483648 : i32
    %reduce_min3A_150 = vector.broadcast %reduce_min3A_149 : i32 to vector<16xi32>
    %reduce_min3A_151 = arith.xori %select_n3A_147, %reduce_min3A_150 : vector<16xi32>
    %reduce_min3A_152 = tpu.scan <min>, %reduce_min3A_151 masked %reduce_min3A_148 : vector<16xi32>, vector<16xi1> -> vector<16xi32>
    %reduce_min3A_153 = arith.xori %reduce_min3A_152, %reduce_min3A_150 : vector<16xi32>
    %reduce_min3A_154 = vector.extract %reduce_min3A_153[15] : i32 from vector<16xi32>
    %mul3A_155 = arith.constant 64 : i32
    %mul3A_156 = arith.muli %reduce_min3A_154, %mul3A_155 : i32
    %broadcast_in_dim3A_157 = arith.constant 1073741824 : i32
    %broadcast_in_dim3A_158 = vector.broadcast %broadcast_in_dim3A_157 : i32 to vector<16xi32>
    %add3A_159 = arith.constant 0 : i32
    %add3A_160 = arith.addi %add3A_159, %mul3A_156 : i32
    %add3A_161 = arith.constant 0 : i32
    %add3A_162 = arith.addi %add3A_160, %add3A_161 : i32
    %get3A = arith.index_cast %add3A_162 : i32 to index
    %get3A_163 = tpu.vector_load %arg6[%get3A] {strides = array<i32>} : memref<65536xf32, #tpu.memory_space<vmem>>, vector<16xf32>,
    %eq3A_164 = vector.broadcast %reduce_max3A_143 : f32 to vector<16xf32>
    %eq3A_165 = arith.cmpf oeq, %get3A_163, %eq3A_164 : vector<16xf32>
    %add3A_166 = arith.constant 0 : i32
    %add3A_167 = arith.addi %mul3A_156, %add3A_166 : i32
    %add3A_168 = vector.broadcast %add3A_167 : i32 to vector<16xi32>
    %add3A_169 = arith.addi %add3A_168, %iota3A : vector<16xi32>
    %jit3A_170 = arith.constant 1073741824 : i32
    %broadcast_in_dim3A_171 = vector.broadcast %jit3A_170 : i32 to vector<16xi32>
    %select_n3A_172 = arith.select %eq3A_165, %add3A_169, %broadcast_in_dim3A_171 : vector<16xi1>, vector<16xi32>
    %min3A = arith.minsi %broadcast_in_dim3A_158, %select_n3A_172 : vector<16xi32>
    %add3A_173 = arith.constant 0 : i32
    %add3A_174 = arith.addi %add3A_173, %mul3A_156 : i32
    %add3A_175 = arith.constant 16 : i32
    %add3A_176 = arith.addi %add3A_174, %add3A_175 : i32
    %get3A_177 = arith.index_cast %add3A_176 : i32 to index
    %get3A_178 = tpu.vector_load %arg6[%get3A_177] {strides = array<i32>} : memref<65536xf32, #tpu.memory_space<vmem>>, vector<16xf32>,
    %eq3A_179 = vector.broadcast %reduce_max3A_143 : f32 to vector<16xf32>
    %eq3A_180 = arith.cmpf oeq, %get3A_178, %eq3A_179 : vector<16xf32>
    %add3A_181 = arith.constant 16 : i32
    %add3A_182 = arith.addi %mul3A_156, %add3A_181 : i32
    %add3A_183 = vector.broadcast %add3A_182 : i32 to vector<16xi32>
    %add3A_184 = arith.addi %add3A_183, %iota3A : vector<16xi32>
    %jit3A_185 = arith.constant 1073741824 : i32
    %broadcast_in_dim3A_186 = vector.broadcast %jit3A_185 : i32 to vector<16xi32>
    %select_n3A_187 = arith.select %eq3A_180, %add3A_184, %broadcast_in_dim3A_186 : vector<16xi1>, vector<16xi32>
    %min3A_188 = arith.minsi %min3A, %select_n3A_187 : vector<16xi32>
    %add3A_189 = arith.constant 0 : i32
    %add3A_190 = arith.addi %add3A_189, %mul3A_156 : i32
    %add3A_191 = arith.constant 32 : i32
    %add3A_192 = arith.addi %add3A_190, %add3A_191 : i32
    %get3A_193 = arith.index_cast %add3A_192 : i32 to index
    %get3A_194 = tpu.vector_load %arg6[%get3A_193] {strides = array<i32>} : memref<65536xf32, #tpu.memory_space<vmem>>, vector<16xf32>,
    %eq3A_195 = vector.broadcast %reduce_max3A_143 : f32 to vector<16xf32>
    %eq3A_196 = arith.cmpf oeq, %get3A_194, %eq3A_195 : vector<16xf32>
    %add3A_197 = arith.constant 32 : i32
    %add3A_198 = arith.addi %mul3A_156, %add3A_197 : i32
    %add3A_199 = vector.broadcast %add3A_198 : i32 to vector<16xi32>
    %add3A_200 = arith.addi %add3A_199, %iota3A : vector<16xi32>
    %jit3A_201 = arith.constant 1073741824 : i32
    %broadcast_in_dim3A_202 = vector.broadcast %jit3A_201 : i32 to vector<16xi32>
    %select_n3A_203 = arith.select %eq3A_196, %add3A_200, %broadcast_in_dim3A_202 : vector<16xi1>, vector<16xi32>
    %min3A_204 = arith.minsi %min3A_188, %select_n3A_203 : vector<16xi32>
    %add3A_205 = arith.constant 0 : i32
    %add3A_206 = arith.addi %add3A_205, %mul3A_156 : i32
    %add3A_207 = arith.constant 48 : i32
    %add3A_208 = arith.addi %add3A_206, %add3A_207 : i32
    %get3A_209 = arith.index_cast %add3A_208 : i32 to index
    %get3A_210 = tpu.vector_load %arg6[%get3A_209] {strides = array<i32>} : memref<65536xf32, #tpu.memory_space<vmem>>, vector<16xf32>,
    %eq3A_211 = vector.broadcast %reduce_max3A_143 : f32 to vector<16xf32>
    %eq3A_212 = arith.cmpf oeq, %get3A_210, %eq3A_211 : vector<16xf32>
    %add3A_213 = arith.constant 48 : i32
    %add3A_214 = arith.addi %mul3A_156, %add3A_213 : i32
    %add3A_215 = vector.broadcast %add3A_214 : i32 to vector<16xi32>
    %add3A_216 = arith.addi %add3A_215, %iota3A : vector<16xi32>
    %jit3A_217 = arith.constant 1073741824 : i32
    %broadcast_in_dim3A_218 = vector.broadcast %jit3A_217 : i32 to vector<16xi32>
    %select_n3A_219 = arith.select %eq3A_212, %add3A_216, %broadcast_in_dim3A_218 : vector<16xi1>, vector<16xi32>
    %min3A_220 = arith.minsi %min3A_204, %select_n3A_219 : vector<16xi32>
    %reduce_min3A_221 = arith.constant true
    %reduce_min3A_222 = vector.broadcast %reduce_min3A_221 : i1 to vector<16xi1>
    %reduce_min3A_223 = arith.constant -2147483648 : i32
    %reduce_min3A_224 = vector.broadcast %reduce_min3A_223 : i32 to vector<16xi32>
    %reduce_min3A_225 = arith.xori %min3A_220, %reduce_min3A_224 : vector<16xi32>
    %reduce_min3A_226 = tpu.scan <min>, %reduce_min3A_225 masked %reduce_min3A_222 : vector<16xi32>, vector<16xi1> -> vector<16xi32>
    %reduce_min3A_227 = arith.xori %reduce_min3A_226, %reduce_min3A_224 : vector<16xi32>
    %reduce_min3A_228 = vector.extract %reduce_min3A_227[15] : i32 from vector<16xi32>
    %eq3A_229 = arith.constant 0 : i32
    %eq3A_230 = vector.broadcast %eq3A_229 : i32 to vector<16xi32>
    %eq3A_231 = arith.cmpi eq, %iota3A, %eq3A_230 : vector<16xi32>
    %broadcast_in_dim3A_232 = vector.broadcast %reduce_max3A_143 : f32 to vector<16xf32>
    %select_n3A_233 = arith.select %eq3A_231, %broadcast_in_dim3A_232, %broadcast_in_dim3A_9 : vector<16xi1>, vector<16xf32>
    %eq3A_234 = arith.constant 0 : i32
    %eq3A_235 = vector.broadcast %eq3A_234 : i32 to vector<16xi32>
    %eq3A_236 = arith.cmpi eq, %iota3A, %eq3A_235 : vector<16xi32>
    %broadcast_in_dim3A_237 = vector.broadcast %reduce_min3A_228 : i32 to vector<16xi32>
    %select_n3A_238 = arith.select %eq3A_236, %broadcast_in_dim3A_237, %broadcast_in_dim3A_11 : vector<16xi1>, vector<16xi32>
    %broadcast_in_dim3A_239 = arith.constant 0xFF800000 : f32
    %broadcast_in_dim3A_240 = vector.broadcast %broadcast_in_dim3A_239 : f32 to vector<16xf32>
    %broadcast_in_dim3A_241 = arith.constant 0xFF800000 : f32
    %broadcast_in_dim3A_242 = vector.broadcast %broadcast_in_dim3A_241 : f32 to vector<16xf32>
    %broadcast_in_dim3A_243 = arith.constant 0xFF800000 : f32
    %broadcast_in_dim3A_244 = vector.broadcast %broadcast_in_dim3A_243 : f32 to vector<16xf32>
    %broadcast_in_dim3A_245 = arith.constant 0xFF800000 : f32
    %broadcast_in_dim3A_246 = vector.broadcast %broadcast_in_dim3A_245 : f32 to vector<16xf32>
    %broadcast_in_dim3A_247 = arith.constant 0xFF800000 : f32
    %broadcast_in_dim3A_248 = vector.broadcast %broadcast_in_dim3A_247 : f32 to vector<16xf32>
    %broadcast_in_dim3A_249 = arith.constant 0xFF800000 : f32
    %broadcast_in_dim3A_250 = vector.broadcast %broadcast_in_dim3A_249 : f32 to vector<16xf32>
    %broadcast_in_dim3A_251 = arith.constant 0xFF800000 : f32
    %broadcast_in_dim3A_252 = vector.broadcast %broadcast_in_dim3A_251 : f32 to vector<16xf32>
    %broadcast_in_dim3A_253 = arith.constant 0xFF800000 : f32
    %broadcast_in_dim3A_254 = vector.broadcast %broadcast_in_dim3A_253 : f32 to vector<16xf32>
    %broadcast_in_dim3A_255 = arith.constant 0 : i32
    %broadcast_in_dim3A_256 = vector.broadcast %broadcast_in_dim3A_255 : i32 to vector<16xi32>
    %broadcast_in_dim3A_257 = arith.constant 0 : i32
    %broadcast_in_dim3A_258 = vector.broadcast %broadcast_in_dim3A_257 : i32 to vector<16xi32>
    %broadcast_in_dim3A_259 = arith.constant 0 : i32
    %broadcast_in_dim3A_260 = vector.broadcast %broadcast_in_dim3A_259 : i32 to vector<16xi32>
    %broadcast_in_dim3A_261 = arith.constant 0 : i32
    %broadcast_in_dim3A_262 = vector.broadcast %broadcast_in_dim3A_261 : i32 to vector<16xi32>
    %broadcast_in_dim3A_263 = arith.constant 0 : i32
    %broadcast_in_dim3A_264 = vector.broadcast %broadcast_in_dim3A_263 : i32 to vector<16xi32>
    %broadcast_in_dim3A_265 = arith.constant 0 : i32
    %broadcast_in_dim3A_266 = vector.broadcast %broadcast_in_dim3A_265 : i32 to vector<16xi32>
    %broadcast_in_dim3A_267 = arith.constant 0 : i32
    %broadcast_in_dim3A_268 = vector.broadcast %broadcast_in_dim3A_267 : i32 to vector<16xi32>
    %broadcast_in_dim3A_269 = arith.constant 0 : i32
    %broadcast_in_dim3A_270 = vector.broadcast %broadcast_in_dim3A_269 : i32 to vector<16xi32>
    %broadcast_in_dim3A_271 = arith.constant 0 : i32
    %broadcast_in_dim3A_272 = vector.broadcast %broadcast_in_dim3A_271 : i32 to vector<16xi32>
    %parallel_loop3A_273 = arith.constant 0 : i32
    %parallel_loop3A_274 = arith.constant 32768 : i32
    %parallel_loop3A_275 = arith.constant 512 : i32
    %parallel_loop3A_276:17 = scf.for %parallel_loop3A_492 = %parallel_loop3A_273 to %parallel_loop3A_274 step %parallel_loop3A_275 iter_args(%parallel_loop3A_493 = %broadcast_in_dim3A_240, %parallel_loop3A_494 = %broadcast_in_dim3A_242, %parallel_loop3A_495 = %broadcast_in_dim3A_244, %parallel_loop3A_496 = %broadcast_in_dim3A_246, %parallel_loop3A_497 = %broadcast_in_dim3A_248, %parallel_loop3A_498 = %broadcast_in_dim3A_250, %parallel_loop3A_499 = %broadcast_in_dim3A_252, %parallel_loop3A_500 = %broadcast_in_dim3A_254, %parallel_loop3A_501 = %broadcast_in_dim3A_256, %parallel_loop3A_502 = %broadcast_in_dim3A_258, %parallel_loop3A_503 = %broadcast_in_dim3A_260, %parallel_loop3A_504 = %broadcast_in_dim3A_262, %parallel_loop3A_505 = %broadcast_in_dim3A_264, %parallel_loop3A_506 = %broadcast_in_dim3A_266, %parallel_loop3A_507 = %broadcast_in_dim3A_268, %parallel_loop3A_508 = %broadcast_in_dim3A_270, %parallel_loop3A_509 = %broadcast_in_dim3A_272) -> (vector<16xf32>, vector<16xf32>, vector<16xf32>, vector<16xf32>, vector<16xf32>, vector<16xf32>, vector<16xf32>, vector<16xf32>, vector<16xi32>, vector<16xi32>, vector<16xi32>, vector<16xi32>, vector<16xi32>, vector<16xi32>, vector<16xi32>, vector<16xi32>, vector<16xi32>)  : i32 {
      %parallel_loop3A_510 = arith.constant 0 : i32
      %parallel_loop3A_511 = arith.addi %parallel_loop3A_492, %parallel_loop3A_510 : i32
      %parallel_loop3A_512 = arith.constant 32768 : i32
      %parallel_loop3A_513 = arith.addi %parallel_loop3A_512, %parallel_loop3A_511 : i32
      %parallel_loop3A_514 = arith.index_cast %parallel_loop3A_513 : i32 to index
      %parallel_loop3A_515 = tpu.vector_load %arg6[%parallel_loop3A_514] {strides = array<i32>} : memref<65536xf32, #tpu.memory_space<vmem>>, vector<16xf32>,
      %parallel_loop3A_516 = arith.constant 32768 : i32
      %parallel_loop3A_517 = arith.addi %parallel_loop3A_516, %parallel_loop3A_511 : i32
      %parallel_loop3A_518 = arith.constant 16 : i32
      %parallel_loop3A_519 = arith.addi %parallel_loop3A_517, %parallel_loop3A_518 : i32
      %parallel_loop3A_520 = arith.index_cast %parallel_loop3A_519 : i32 to index
      %parallel_loop3A_521 = tpu.vector_load %arg6[%parallel_loop3A_520] {strides = array<i32>} : memref<65536xf32, #tpu.memory_space<vmem>>, vector<16xf32>,
      %parallel_loop3A_522 = arith.maximumf %parallel_loop3A_515, %parallel_loop3A_521 : vector<16xf32>
      %parallel_loop3A_523 = arith.constant 32768 : i32
      %parallel_loop3A_524 = arith.addi %parallel_loop3A_523, %parallel_loop3A_511 : i32
      %parallel_loop3A_525 = arith.constant 32 : i32
      %parallel_loop3A_526 = arith.addi %parallel_loop3A_524, %parallel_loop3A_525 : i32
      %parallel_loop3A_527 = arith.index_cast %parallel_loop3A_526 : i32 to index
      %parallel_loop3A_528 = tpu.vector_load %arg6[%parallel_loop3A_527] {strides = array<i32>} : memref<65536xf32, #tpu.memory_space<vmem>>, vector<16xf32>,
      %parallel_loop3A_529 = arith.constant 32768 : i32
      %parallel_loop3A_530 = arith.addi %parallel_loop3A_529, %parallel_loop3A_511 : i32
      %parallel_loop3A_531 = arith.constant 48 : i32
      %parallel_loop3A_532 = arith.addi %parallel_loop3A_530, %parallel_loop3A_531 : i32
      %parallel_loop3A_533 = arith.index_cast %parallel_loop3A_532 : i32 to index
      %parallel_loop3A_534 = tpu.vector_load %arg6[%parallel_loop3A_533] {strides = array<i32>} : memref<65536xf32, #tpu.memory_space<vmem>>, vector<16xf32>,
      %parallel_loop3A_535 = arith.maximumf %parallel_loop3A_528, %parallel_loop3A_534 : vector<16xf32>
      %parallel_loop3A_536 = arith.maximumf %parallel_loop3A_522, %parallel_loop3A_535 : vector<16xf32>
      %parallel_loop3A_537 = arith.cmpf ogt, %parallel_loop3A_536, %parallel_loop3A_493 : vector<16xf32>
      %parallel_loop3A_538 = arith.select %parallel_loop3A_537, %parallel_loop3A_536, %parallel_loop3A_493 : vector<16xi1>, vector<16xf32>
      %parallel_loop3A_539 = arith.select %parallel_loop3A_537, %parallel_loop3A_509, %parallel_loop3A_501 : vector<16xi1>, vector<16xi32>
      %parallel_loop3A_540 = arith.constant 64 : i32
      %parallel_loop3A_541 = arith.addi %parallel_loop3A_492, %parallel_loop3A_540 : i32
      %parallel_loop3A_542 = arith.constant 32768 : i32
      %parallel_loop3A_543 = arith.addi %parallel_loop3A_542, %parallel_loop3A_541 : i32
      %parallel_loop3A_544 = arith.index_cast %parallel_loop3A_543 : i32 to index
      %parallel_loop3A_545 = tpu.vector_load %arg6[%parallel_loop3A_544] {strides = array<i32>} : memref<65536xf32, #tpu.memory_space<vmem>>, vector<16xf32>,
      %parallel_loop3A_546 = arith.constant 32768 : i32
      %parallel_loop3A_547 = arith.addi %parallel_loop3A_546, %parallel_loop3A_541 : i32
      %parallel_loop3A_548 = arith.constant 16 : i32
      %parallel_loop3A_549 = arith.addi %parallel_loop3A_547, %parallel_loop3A_548 : i32
      %parallel_loop3A_550 = arith.index_cast %parallel_loop3A_549 : i32 to index
      %parallel_loop3A_551 = tpu.vector_load %arg6[%parallel_loop3A_550] {strides = array<i32>} : memref<65536xf32, #tpu.memory_space<vmem>>, vector<16xf32>,
      %parallel_loop3A_552 = arith.maximumf %parallel_loop3A_545, %parallel_loop3A_551 : vector<16xf32>
      %parallel_loop3A_553 = arith.constant 32768 : i32
      %parallel_loop3A_554 = arith.addi %parallel_loop3A_553, %parallel_loop3A_541 : i32
      %parallel_loop3A_555 = arith.constant 32 : i32
      %parallel_loop3A_556 = arith.addi %parallel_loop3A_554, %parallel_loop3A_555 : i32
      %parallel_loop3A_557 = arith.index_cast %parallel_loop3A_556 : i32 to index
      %parallel_loop3A_558 = tpu.vector_load %arg6[%parallel_loop3A_557] {strides = array<i32>} : memref<65536xf32, #tpu.memory_space<vmem>>, vector<16xf32>,
      %parallel_loop3A_559 = arith.constant 32768 : i32
      %parallel_loop3A_560 = arith.addi %parallel_loop3A_559, %parallel_loop3A_541 : i32
      %parallel_loop3A_561 = arith.constant 48 : i32
      %parallel_loop3A_562 = arith.addi %parallel_loop3A_560, %parallel_loop3A_561 : i32
      %parallel_loop3A_563 = arith.index_cast %parallel_loop3A_562 : i32 to index
      %parallel_loop3A_564 = tpu.vector_load %arg6[%parallel_loop3A_563] {strides = array<i32>} : memref<65536xf32, #tpu.memory_space<vmem>>, vector<16xf32>,
      %parallel_loop3A_565 = arith.maximumf %parallel_loop3A_558, %parallel_loop3A_564 : vector<16xf32>
      %parallel_loop3A_566 = arith.maximumf %parallel_loop3A_552, %parallel_loop3A_565 : vector<16xf32>
      %parallel_loop3A_567 = arith.cmpf ogt, %parallel_loop3A_566, %parallel_loop3A_494 : vector<16xf32>
      %parallel_loop3A_568 = arith.select %parallel_loop3A_567, %parallel_loop3A_566, %parallel_loop3A_494 : vector<16xi1>, vector<16xf32>
      %parallel_loop3A_569 = arith.select %parallel_loop3A_567, %parallel_loop3A_509, %parallel_loop3A_502 : vector<16xi1>, vector<16xi32>
      %parallel_loop3A_570 = arith.constant 128 : i32
      %parallel_loop3A_571 = arith.addi %parallel_loop3A_492, %parallel_loop3A_570 : i32
      %parallel_loop3A_572 = arith.constant 32768 : i32
      %parallel_loop3A_573 = arith.addi %parallel_loop3A_572, %parallel_loop3A_571 : i32
      %parallel_loop3A_574 = arith.index_cast %parallel_loop3A_573 : i32 to index
      %parallel_loop3A_575 = tpu.vector_load %arg6[%parallel_loop3A_574] {strides = array<i32>} : memref<65536xf32, #tpu.memory_space<vmem>>, vector<16xf32>,
      %parallel_loop3A_576 = arith.constant 32768 : i32
      %parallel_loop3A_577 = arith.addi %parallel_loop3A_576, %parallel_loop3A_571 : i32
      %parallel_loop3A_578 = arith.constant 16 : i32
      %parallel_loop3A_579 = arith.addi %parallel_loop3A_577, %parallel_loop3A_578 : i32
      %parallel_loop3A_580 = arith.index_cast %parallel_loop3A_579 : i32 to index
      %parallel_loop3A_581 = tpu.vector_load %arg6[%parallel_loop3A_580] {strides = array<i32>} : memref<65536xf32, #tpu.memory_space<vmem>>, vector<16xf32>,
      %parallel_loop3A_582 = arith.maximumf %parallel_loop3A_575, %parallel_loop3A_581 : vector<16xf32>
      %parallel_loop3A_583 = arith.constant 32768 : i32
      %parallel_loop3A_584 = arith.addi %parallel_loop3A_583, %parallel_loop3A_571 : i32
      %parallel_loop3A_585 = arith.constant 32 : i32
      %parallel_loop3A_586 = arith.addi %parallel_loop3A_584, %parallel_loop3A_585 : i32
      %parallel_loop3A_587 = arith.index_cast %parallel_loop3A_586 : i32 to index
      %parallel_loop3A_588 = tpu.vector_load %arg6[%parallel_loop3A_587] {strides = array<i32>} : memref<65536xf32, #tpu.memory_space<vmem>>, vector<16xf32>,
      %parallel_loop3A_589 = arith.constant 32768 : i32
      %parallel_loop3A_590 = arith.addi %parallel_loop3A_589, %parallel_loop3A_571 : i32
      %parallel_loop3A_591 = arith.constant 48 : i32
      %parallel_loop3A_592 = arith.addi %parallel_loop3A_590, %parallel_loop3A_591 : i32
      %parallel_loop3A_593 = arith.index_cast %parallel_loop3A_592 : i32 to index
      %parallel_loop3A_594 = tpu.vector_load %arg6[%parallel_loop3A_593] {strides = array<i32>} : memref<65536xf32, #tpu.memory_space<vmem>>, vector<16xf32>,
      %parallel_loop3A_595 = arith.maximumf %parallel_loop3A_588, %parallel_loop3A_594 : vector<16xf32>
      %parallel_loop3A_596 = arith.maximumf %parallel_loop3A_582, %parallel_loop3A_595 : vector<16xf32>
      %parallel_loop3A_597 = arith.cmpf ogt, %parallel_loop3A_596, %parallel_loop3A_495 : vector<16xf32>
      %parallel_loop3A_598 = arith.select %parallel_loop3A_597, %parallel_loop3A_596, %parallel_loop3A_495 : vector<16xi1>, vector<16xf32>
      %parallel_loop3A_599 = arith.select %parallel_loop3A_597, %parallel_loop3A_509, %parallel_loop3A_503 : vector<16xi1>, vector<16xi32>
      %parallel_loop3A_600 = arith.constant 192 : i32
      %parallel_loop3A_601 = arith.addi %parallel_loop3A_492, %parallel_loop3A_600 : i32
      %parallel_loop3A_602 = arith.constant 32768 : i32
      %parallel_loop3A_603 = arith.addi %parallel_loop3A_602, %parallel_loop3A_601 : i32
      %parallel_loop3A_604 = arith.index_cast %parallel_loop3A_603 : i32 to index
      %parallel_loop3A_605 = tpu.vector_load %arg6[%parallel_loop3A_604] {strides = array<i32>} : memref<65536xf32, #tpu.memory_space<vmem>>, vector<16xf32>,
      %parallel_loop3A_606 = arith.constant 32768 : i32
      %parallel_loop3A_607 = arith.addi %parallel_loop3A_606, %parallel_loop3A_601 : i32
      %parallel_loop3A_608 = arith.constant 16 : i32
      %parallel_loop3A_609 = arith.addi %parallel_loop3A_607, %parallel_loop3A_608 : i32
      %parallel_loop3A_610 = arith.index_cast %parallel_loop3A_609 : i32 to index
      %parallel_loop3A_611 = tpu.vector_load %arg6[%parallel_loop3A_610] {strides = array<i32>} : memref<65536xf32, #tpu.memory_space<vmem>>, vector<16xf32>,
      %parallel_loop3A_612 = arith.maximumf %parallel_loop3A_605, %parallel_loop3A_611 : vector<16xf32>
      %parallel_loop3A_613 = arith.constant 32768 : i32
      %parallel_loop3A_614 = arith.addi %parallel_loop3A_613, %parallel_loop3A_601 : i32
      %parallel_loop3A_615 = arith.constant 32 : i32
      %parallel_loop3A_616 = arith.addi %parallel_loop3A_614, %parallel_loop3A_615 : i32
      %parallel_loop3A_617 = arith.index_cast %parallel_loop3A_616 : i32 to index
      %parallel_loop3A_618 = tpu.vector_load %arg6[%parallel_loop3A_617] {strides = array<i32>} : memref<65536xf32, #tpu.memory_space<vmem>>, vector<16xf32>,
      %parallel_loop3A_619 = arith.constant 32768 : i32
      %parallel_loop3A_620 = arith.addi %parallel_loop3A_619, %parallel_loop3A_601 : i32
      %parallel_loop3A_621 = arith.constant 48 : i32
      %parallel_loop3A_622 = arith.addi %parallel_loop3A_620, %parallel_loop3A_621 : i32
      %parallel_loop3A_623 = arith.index_cast %parallel_loop3A_622 : i32 to index
      %parallel_loop3A_624 = tpu.vector_load %arg6[%parallel_loop3A_623] {strides = array<i32>} : memref<65536xf32, #tpu.memory_space<vmem>>, vector<16xf32>,
      %parallel_loop3A_625 = arith.maximumf %parallel_loop3A_618, %parallel_loop3A_624 : vector<16xf32>
      %parallel_loop3A_626 = arith.maximumf %parallel_loop3A_612, %parallel_loop3A_625 : vector<16xf32>
      %parallel_loop3A_627 = arith.cmpf ogt, %parallel_loop3A_626, %parallel_loop3A_496 : vector<16xf32>
      %parallel_loop3A_628 = arith.select %parallel_loop3A_627, %parallel_loop3A_626, %parallel_loop3A_496 : vector<16xi1>, vector<16xf32>
      %parallel_loop3A_629 = arith.select %parallel_loop3A_627, %parallel_loop3A_509, %parallel_loop3A_504 : vector<16xi1>, vector<16xi32>
      %parallel_loop3A_630 = arith.constant 256 : i32
      %parallel_loop3A_631 = arith.addi %parallel_loop3A_492, %parallel_loop3A_630 : i32
      %parallel_loop3A_632 = arith.constant 32768 : i32
      %parallel_loop3A_633 = arith.addi %parallel_loop3A_632, %parallel_loop3A_631 : i32
      %parallel_loop3A_634 = arith.index_cast %parallel_loop3A_633 : i32 to index
      %parallel_loop3A_635 = tpu.vector_load %arg6[%parallel_loop3A_634] {strides = array<i32>} : memref<65536xf32, #tpu.memory_space<vmem>>, vector<16xf32>,
      %parallel_loop3A_636 = arith.constant 32768 : i32
      %parallel_loop3A_637 = arith.addi %parallel_loop3A_636, %parallel_loop3A_631 : i32
      %parallel_loop3A_638 = arith.constant 16 : i32
      %parallel_loop3A_639 = arith.addi %parallel_loop3A_637, %parallel_loop3A_638 : i32
      %parallel_loop3A_640 = arith.index_cast %parallel_loop3A_639 : i32 to index
      %parallel_loop3A_641 = tpu.vector_load %arg6[%parallel_loop3A_640] {strides = array<i32>} : memref<65536xf32, #tpu.memory_space<vmem>>, vector<16xf32>,
      %parallel_loop3A_642 = arith.maximumf %parallel_loop3A_635, %parallel_loop3A_641 : vector<16xf32>
      %parallel_loop3A_643 = arith.constant 32768 : i32
      %parallel_loop3A_644 = arith.addi %parallel_loop3A_643, %parallel_loop3A_631 : i32
      %parallel_loop3A_645 = arith.constant 32 : i32
      %parallel_loop3A_646 = arith.addi %parallel_loop3A_644, %parallel_loop3A_645 : i32
      %parallel_loop3A_647 = arith.index_cast %parallel_loop3A_646 : i32 to index
      %parallel_loop3A_648 = tpu.vector_load %arg6[%parallel_loop3A_647] {strides = array<i32>} : memref<65536xf32, #tpu.memory_space<vmem>>, vector<16xf32>,
      %parallel_loop3A_649 = arith.constant 32768 : i32
      %parallel_loop3A_650 = arith.addi %parallel_loop3A_649, %parallel_loop3A_631 : i32
      %parallel_loop3A_651 = arith.constant 48 : i32
      %parallel_loop3A_652 = arith.addi %parallel_loop3A_650, %parallel_loop3A_651 : i32
      %parallel_loop3A_653 = arith.index_cast %parallel_loop3A_652 : i32 to index
      %parallel_loop3A_654 = tpu.vector_load %arg6[%parallel_loop3A_653] {strides = array<i32>} : memref<65536xf32, #tpu.memory_space<vmem>>, vector<16xf32>,
      %parallel_loop3A_655 = arith.maximumf %parallel_loop3A_648, %parallel_loop3A_654 : vector<16xf32>
      %parallel_loop3A_656 = arith.maximumf %parallel_loop3A_642, %parallel_loop3A_655 : vector<16xf32>
      %parallel_loop3A_657 = arith.cmpf ogt, %parallel_loop3A_656, %parallel_loop3A_497 : vector<16xf32>
      %parallel_loop3A_658 = arith.select %parallel_loop3A_657, %parallel_loop3A_656, %parallel_loop3A_497 : vector<16xi1>, vector<16xf32>
      %parallel_loop3A_659 = arith.select %parallel_loop3A_657, %parallel_loop3A_509, %parallel_loop3A_505 : vector<16xi1>, vector<16xi32>
      %parallel_loop3A_660 = arith.constant 320 : i32
      %parallel_loop3A_661 = arith.addi %parallel_loop3A_492, %parallel_loop3A_660 : i32
      %parallel_loop3A_662 = arith.constant 32768 : i32
      %parallel_loop3A_663 = arith.addi %parallel_loop3A_662, %parallel_loop3A_661 : i32
      %parallel_loop3A_664 = arith.index_cast %parallel_loop3A_663 : i32 to index
      %parallel_loop3A_665 = tpu.vector_load %arg6[%parallel_loop3A_664] {strides = array<i32>} : memref<65536xf32, #tpu.memory_space<vmem>>, vector<16xf32>,
      %parallel_loop3A_666 = arith.constant 32768 : i32
      %parallel_loop3A_667 = arith.addi %parallel_loop3A_666, %parallel_loop3A_661 : i32
      %parallel_loop3A_668 = arith.constant 16 : i32
      %parallel_loop3A_669 = arith.addi %parallel_loop3A_667, %parallel_loop3A_668 : i32
      %parallel_loop3A_670 = arith.index_cast %parallel_loop3A_669 : i32 to index
      %parallel_loop3A_671 = tpu.vector_load %arg6[%parallel_loop3A_670] {strides = array<i32>} : memref<65536xf32, #tpu.memory_space<vmem>>, vector<16xf32>,
      %parallel_loop3A_672 = arith.maximumf %parallel_loop3A_665, %parallel_loop3A_671 : vector<16xf32>
      %parallel_loop3A_673 = arith.constant 32768 : i32
      %parallel_loop3A_674 = arith.addi %parallel_loop3A_673, %parallel_loop3A_661 : i32
      %parallel_loop3A_675 = arith.constant 32 : i32
      %parallel_loop3A_676 = arith.addi %parallel_loop3A_674, %parallel_loop3A_675 : i32
      %parallel_loop3A_677 = arith.index_cast %parallel_loop3A_676 : i32 to index
      %parallel_loop3A_678 = tpu.vector_load %arg6[%parallel_loop3A_677] {strides = array<i32>} : memref<65536xf32, #tpu.memory_space<vmem>>, vector<16xf32>,
      %parallel_loop3A_679 = arith.constant 32768 : i32
      %parallel_loop3A_680 = arith.addi %parallel_loop3A_679, %parallel_loop3A_661 : i32
      %parallel_loop3A_681 = arith.constant 48 : i32
      %parallel_loop3A_682 = arith.addi %parallel_loop3A_680, %parallel_loop3A_681 : i32
      %parallel_loop3A_683 = arith.index_cast %parallel_loop3A_682 : i32 to index
      %parallel_loop3A_684 = tpu.vector_load %arg6[%parallel_loop3A_683] {strides = array<i32>} : memref<65536xf32, #tpu.memory_space<vmem>>, vector<16xf32>,
      %parallel_loop3A_685 = arith.maximumf %parallel_loop3A_678, %parallel_loop3A_684 : vector<16xf32>
      %parallel_loop3A_686 = arith.maximumf %parallel_loop3A_672, %parallel_loop3A_685 : vector<16xf32>
      %parallel_loop3A_687 = arith.cmpf ogt, %parallel_loop3A_686, %parallel_loop3A_498 : vector<16xf32>
      %parallel_loop3A_688 = arith.select %parallel_loop3A_687, %parallel_loop3A_686, %parallel_loop3A_498 : vector<16xi1>, vector<16xf32>
      %parallel_loop3A_689 = arith.select %parallel_loop3A_687, %parallel_loop3A_509, %parallel_loop3A_506 : vector<16xi1>, vector<16xi32>
      %parallel_loop3A_690 = arith.constant 384 : i32
      %parallel_loop3A_691 = arith.addi %parallel_loop3A_492, %parallel_loop3A_690 : i32
      %parallel_loop3A_692 = arith.constant 32768 : i32
      %parallel_loop3A_693 = arith.addi %parallel_loop3A_692, %parallel_loop3A_691 : i32
      %parallel_loop3A_694 = arith.index_cast %parallel_loop3A_693 : i32 to index
      %parallel_loop3A_695 = tpu.vector_load %arg6[%parallel_loop3A_694] {strides = array<i32>} : memref<65536xf32, #tpu.memory_space<vmem>>, vector<16xf32>,
      %parallel_loop3A_696 = arith.constant 32768 : i32
      %parallel_loop3A_697 = arith.addi %parallel_loop3A_696, %parallel_loop3A_691 : i32
      %parallel_loop3A_698 = arith.constant 16 : i32
      %parallel_loop3A_699 = arith.addi %parallel_loop3A_697, %parallel_loop3A_698 : i32
      %parallel_loop3A_700 = arith.index_cast %parallel_loop3A_699 : i32 to index
      %parallel_loop3A_701 = tpu.vector_load %arg6[%parallel_loop3A_700] {strides = array<i32>} : memref<65536xf32, #tpu.memory_space<vmem>>, vector<16xf32>,
      %parallel_loop3A_702 = arith.maximumf %parallel_loop3A_695, %parallel_loop3A_701 : vector<16xf32>
      %parallel_loop3A_703 = arith.constant 32768 : i32
      %parallel_loop3A_704 = arith.addi %parallel_loop3A_703, %parallel_loop3A_691 : i32
      %parallel_loop3A_705 = arith.constant 32 : i32
      %parallel_loop3A_706 = arith.addi %parallel_loop3A_704, %parallel_loop3A_705 : i32
      %parallel_loop3A_707 = arith.index_cast %parallel_loop3A_706 : i32 to index
      %parallel_loop3A_708 = tpu.vector_load %arg6[%parallel_loop3A_707] {strides = array<i32>} : memref<65536xf32, #tpu.memory_space<vmem>>, vector<16xf32>,
      %parallel_loop3A_709 = arith.constant 32768 : i32
      %parallel_loop3A_710 = arith.addi %parallel_loop3A_709, %parallel_loop3A_691 : i32
      %parallel_loop3A_711 = arith.constant 48 : i32
      %parallel_loop3A_712 = arith.addi %parallel_loop3A_710, %parallel_loop3A_711 : i32
      %parallel_loop3A_713 = arith.index_cast %parallel_loop3A_712 : i32 to index
      %parallel_loop3A_714 = tpu.vector_load %arg6[%parallel_loop3A_713] {strides = array<i32>} : memref<65536xf32, #tpu.memory_space<vmem>>, vector<16xf32>,
      %parallel_loop3A_715 = arith.maximumf %parallel_loop3A_708, %parallel_loop3A_714 : vector<16xf32>
      %parallel_loop3A_716 = arith.maximumf %parallel_loop3A_702, %parallel_loop3A_715 : vector<16xf32>
      %parallel_loop3A_717 = arith.cmpf ogt, %parallel_loop3A_716, %parallel_loop3A_499 : vector<16xf32>
      %parallel_loop3A_718 = arith.select %parallel_loop3A_717, %parallel_loop3A_716, %parallel_loop3A_499 : vector<16xi1>, vector<16xf32>
      %parallel_loop3A_719 = arith.select %parallel_loop3A_717, %parallel_loop3A_509, %parallel_loop3A_507 : vector<16xi1>, vector<16xi32>
      %parallel_loop3A_720 = arith.constant 448 : i32
      %parallel_loop3A_721 = arith.addi %parallel_loop3A_492, %parallel_loop3A_720 : i32
      %parallel_loop3A_722 = arith.constant 32768 : i32
      %parallel_loop3A_723 = arith.addi %parallel_loop3A_722, %parallel_loop3A_721 : i32
      %parallel_loop3A_724 = arith.index_cast %parallel_loop3A_723 : i32 to index
      %parallel_loop3A_725 = tpu.vector_load %arg6[%parallel_loop3A_724] {strides = array<i32>} : memref<65536xf32, #tpu.memory_space<vmem>>, vector<16xf32>,
      %parallel_loop3A_726 = arith.constant 32768 : i32
      %parallel_loop3A_727 = arith.addi %parallel_loop3A_726, %parallel_loop3A_721 : i32
      %parallel_loop3A_728 = arith.constant 16 : i32
      %parallel_loop3A_729 = arith.addi %parallel_loop3A_727, %parallel_loop3A_728 : i32
      %parallel_loop3A_730 = arith.index_cast %parallel_loop3A_729 : i32 to index
      %parallel_loop3A_731 = tpu.vector_load %arg6[%parallel_loop3A_730] {strides = array<i32>} : memref<65536xf32, #tpu.memory_space<vmem>>, vector<16xf32>,
      %parallel_loop3A_732 = arith.maximumf %parallel_loop3A_725, %parallel_loop3A_731 : vector<16xf32>
      %parallel_loop3A_733 = arith.constant 32768 : i32
      %parallel_loop3A_734 = arith.addi %parallel_loop3A_733, %parallel_loop3A_721 : i32
      %parallel_loop3A_735 = arith.constant 32 : i32
      %parallel_loop3A_736 = arith.addi %parallel_loop3A_734, %parallel_loop3A_735 : i32
      %parallel_loop3A_737 = arith.index_cast %parallel_loop3A_736 : i32 to index
      %parallel_loop3A_738 = tpu.vector_load %arg6[%parallel_loop3A_737] {strides = array<i32>} : memref<65536xf32, #tpu.memory_space<vmem>>, vector<16xf32>,
      %parallel_loop3A_739 = arith.constant 32768 : i32
      %parallel_loop3A_740 = arith.addi %parallel_loop3A_739, %parallel_loop3A_721 : i32
      %parallel_loop3A_741 = arith.constant 48 : i32
      %parallel_loop3A_742 = arith.addi %parallel_loop3A_740, %parallel_loop3A_741 : i32
      %parallel_loop3A_743 = arith.index_cast %parallel_loop3A_742 : i32 to index
      %parallel_loop3A_744 = tpu.vector_load %arg6[%parallel_loop3A_743] {strides = array<i32>} : memref<65536xf32, #tpu.memory_space<vmem>>, vector<16xf32>,
      %parallel_loop3A_745 = arith.maximumf %parallel_loop3A_738, %parallel_loop3A_744 : vector<16xf32>
      %parallel_loop3A_746 = arith.maximumf %parallel_loop3A_732, %parallel_loop3A_745 : vector<16xf32>
      %parallel_loop3A_747 = arith.cmpf ogt, %parallel_loop3A_746, %parallel_loop3A_500 : vector<16xf32>
      %parallel_loop3A_748 = arith.select %parallel_loop3A_747, %parallel_loop3A_746, %parallel_loop3A_500 : vector<16xi1>, vector<16xf32>
      %parallel_loop3A_749 = arith.select %parallel_loop3A_747, %parallel_loop3A_509, %parallel_loop3A_508 : vector<16xi1>, vector<16xi32>
      %parallel_loop3A_750 = arith.constant 1 : i32
      %parallel_loop3A_751 = vector.broadcast %parallel_loop3A_750 : i32 to vector<16xi32>
      %parallel_loop3A_752 = arith.addi %parallel_loop3A_509, %parallel_loop3A_751 : vector<16xi32>
      scf.yield %parallel_loop3A_538, %parallel_loop3A_568, %parallel_loop3A_598, %parallel_loop3A_628, %parallel_loop3A_658, %parallel_loop3A_688, %parallel_loop3A_718, %parallel_loop3A_748, %parallel_loop3A_539, %parallel_loop3A_569, %parallel_loop3A_599, %parallel_loop3A_629, %parallel_loop3A_659, %parallel_loop3A_689, %parallel_loop3A_719, %parallel_loop3A_749, %parallel_loop3A_752 : vector<16xf32>, vector<16xf32>, vector<16xf32>, vector<16xf32>, vector<16xf32>, vector<16xf32>, vector<16xf32>, vector<16xf32>, vector<16xi32>, vector<16xi32>, vector<16xi32>, vector<16xi32>, vector<16xi32>, vector<16xi32>, vector<16xi32>, vector<16xi32>, vector<16xi32>
    } {sc.loop_unroll_factor = 1 : i64, sc.parallel_access}
    %mul3A_277 = arith.constant 8 : i32
    %mul3A_278 = vector.broadcast %mul3A_277 : i32 to vector<16xi32>
    %mul3A_279 = arith.muli %parallel_loop3A_276#8, %mul3A_278 : vector<16xi32>
    %add3A_280 = arith.constant 0 : i32
    %add3A_281 = vector.broadcast %add3A_280 : i32 to vector<16xi32>
    %add3A_282 = arith.addi %mul3A_279, %add3A_281 : vector<16xi32>
    %mul3A_283 = arith.constant 8 : i32
    %mul3A_284 = vector.broadcast %mul3A_283 : i32 to vector<16xi32>
    %mul3A_285 = arith.muli %parallel_loop3A_276#9, %mul3A_284 : vector<16xi32>
    %add3A_286 = arith.constant 1 : i32
    %add3A_287 = vector.broadcast %add3A_286 : i32 to vector<16xi32>
    %add3A_288 = arith.addi %mul3A_285, %add3A_287 : vector<16xi32>
    %mul3A_289 = arith.constant 8 : i32
    %mul3A_290 = vector.broadcast %mul3A_289 : i32 to vector<16xi32>
    %mul3A_291 = arith.muli %parallel_loop3A_276#10, %mul3A_290 : vector<16xi32>
    %add3A_292 = arith.constant 2 : i32
    %add3A_293 = vector.broadcast %add3A_292 : i32 to vector<16xi32>
    %add3A_294 = arith.addi %mul3A_291, %add3A_293 : vector<16xi32>
    %mul3A_295 = arith.constant 8 : i32
    %mul3A_296 = vector.broadcast %mul3A_295 : i32 to vector<16xi32>
    %mul3A_297 = arith.muli %parallel_loop3A_276#11, %mul3A_296 : vector<16xi32>
    %add3A_298 = arith.constant 3 : i32
    %add3A_299 = vector.broadcast %add3A_298 : i32 to vector<16xi32>
    %add3A_300 = arith.addi %mul3A_297, %add3A_299 : vector<16xi32>
    %mul3A_301 = arith.constant 8 : i32
    %mul3A_302 = vector.broadcast %mul3A_301 : i32 to vector<16xi32>
    %mul3A_303 = arith.muli %parallel_loop3A_276#12, %mul3A_302 : vector<16xi32>
    %add3A_304 = arith.constant 4 : i32
    %add3A_305 = vector.broadcast %add3A_304 : i32 to vector<16xi32>
    %add3A_306 = arith.addi %mul3A_303, %add3A_305 : vector<16xi32>
    %mul3A_307 = arith.constant 8 : i32
    %mul3A_308 = vector.broadcast %mul3A_307 : i32 to vector<16xi32>
    %mul3A_309 = arith.muli %parallel_loop3A_276#13, %mul3A_308 : vector<16xi32>
    %add3A_310 = arith.constant 5 : i32
    %add3A_311 = vector.broadcast %add3A_310 : i32 to vector<16xi32>
    %add3A_312 = arith.addi %mul3A_309, %add3A_311 : vector<16xi32>
    %mul3A_313 = arith.constant 8 : i32
    %mul3A_314 = vector.broadcast %mul3A_313 : i32 to vector<16xi32>
    %mul3A_315 = arith.muli %parallel_loop3A_276#14, %mul3A_314 : vector<16xi32>
    %add3A_316 = arith.constant 6 : i32
    %add3A_317 = vector.broadcast %add3A_316 : i32 to vector<16xi32>
    %add3A_318 = arith.addi %mul3A_315, %add3A_317 : vector<16xi32>
    %mul3A_319 = arith.constant 8 : i32
    %mul3A_320 = vector.broadcast %mul3A_319 : i32 to vector<16xi32>
    %mul3A_321 = arith.muli %parallel_loop3A_276#15, %mul3A_320 : vector<16xi32>
    %add3A_322 = arith.constant 7 : i32
    %add3A_323 = vector.broadcast %add3A_322 : i32 to vector<16xi32>
    %add3A_324 = arith.addi %mul3A_321, %add3A_323 : vector<16xi32>
    %gt3A_325 = arith.cmpf ogt, %parallel_loop3A_276#1, %parallel_loop3A_276#0 : vector<16xf32>
    %eq3A_326 = arith.cmpf oeq, %parallel_loop3A_276#1, %parallel_loop3A_276#0 : vector<16xf32>
    %lt3A_327 = arith.cmpi slt, %add3A_288, %add3A_282 : vector<16xi32>
    %and3A_328 = arith.andi %eq3A_326, %lt3A_327 : vector<16xi1>
    %or3A_329 = arith.ori %gt3A_325, %and3A_328 : vector<16xi1>
    %select_n3A_330 = arith.select %or3A_329, %parallel_loop3A_276#1, %parallel_loop3A_276#0 : vector<16xi1>, vector<16xf32>
    %select_n3A_331 = arith.select %or3A_329, %add3A_288, %add3A_282 : vector<16xi1>, vector<16xi32>
    %gt3A_332 = arith.cmpf ogt, %parallel_loop3A_276#2, %select_n3A_330 : vector<16xf32>
    %eq3A_333 = arith.cmpf oeq, %parallel_loop3A_276#2, %select_n3A_330 : vector<16xf32>
    %lt3A_334 = arith.cmpi slt, %add3A_294, %select_n3A_331 : vector<16xi32>
    %and3A_335 = arith.andi %eq3A_333, %lt3A_334 : vector<16xi1>
    %or3A_336 = arith.ori %gt3A_332, %and3A_335 : vector<16xi1>
    %select_n3A_337 = arith.select %or3A_336, %parallel_loop3A_276#2, %select_n3A_330 : vector<16xi1>, vector<16xf32>
    %select_n3A_338 = arith.select %or3A_336, %add3A_294, %select_n3A_331 : vector<16xi1>, vector<16xi32>
    %gt3A_339 = arith.cmpf ogt, %parallel_loop3A_276#3, %select_n3A_337 : vector<16xf32>
    %eq3A_340 = arith.cmpf oeq, %parallel_loop3A_276#3, %select_n3A_337 : vector<16xf32>
    %lt3A_341 = arith.cmpi slt, %add3A_300, %select_n3A_338 : vector<16xi32>
    %and3A_342 = arith.andi %eq3A_340, %lt3A_341 : vector<16xi1>
    %or3A_343 = arith.ori %gt3A_339, %and3A_342 : vector<16xi1>
    %select_n3A_344 = arith.select %or3A_343, %parallel_loop3A_276#3, %select_n3A_337 : vector<16xi1>, vector<16xf32>
    %select_n3A_345 = arith.select %or3A_343, %add3A_300, %select_n3A_338 : vector<16xi1>, vector<16xi32>
    %gt3A_346 = arith.cmpf ogt, %parallel_loop3A_276#4, %select_n3A_344 : vector<16xf32>
    %eq3A_347 = arith.cmpf oeq, %parallel_loop3A_276#4, %select_n3A_344 : vector<16xf32>
    %lt3A_348 = arith.cmpi slt, %add3A_306, %select_n3A_345 : vector<16xi32>
    %and3A_349 = arith.andi %eq3A_347, %lt3A_348 : vector<16xi1>
    %or3A_350 = arith.ori %gt3A_346, %and3A_349 : vector<16xi1>
    %select_n3A_351 = arith.select %or3A_350, %parallel_loop3A_276#4, %select_n3A_344 : vector<16xi1>, vector<16xf32>
    %select_n3A_352 = arith.select %or3A_350, %add3A_306, %select_n3A_345 : vector<16xi1>, vector<16xi32>
    %gt3A_353 = arith.cmpf ogt, %parallel_loop3A_276#5, %select_n3A_351 : vector<16xf32>
    %eq3A_354 = arith.cmpf oeq, %parallel_loop3A_276#5, %select_n3A_351 : vector<16xf32>
    %lt3A_355 = arith.cmpi slt, %add3A_312, %select_n3A_352 : vector<16xi32>
    %and3A_356 = arith.andi %eq3A_354, %lt3A_355 : vector<16xi1>
    %or3A_357 = arith.ori %gt3A_353, %and3A_356 : vector<16xi1>
    %select_n3A_358 = arith.select %or3A_357, %parallel_loop3A_276#5, %select_n3A_351 : vector<16xi1>, vector<16xf32>
    %select_n3A_359 = arith.select %or3A_357, %add3A_312, %select_n3A_352 : vector<16xi1>, vector<16xi32>
    %gt3A_360 = arith.cmpf ogt, %parallel_loop3A_276#6, %select_n3A_358 : vector<16xf32>
    %eq3A_361 = arith.cmpf oeq, %parallel_loop3A_276#6, %select_n3A_358 : vector<16xf32>
    %lt3A_362 = arith.cmpi slt, %add3A_318, %select_n3A_359 : vector<16xi32>
    %and3A_363 = arith.andi %eq3A_361, %lt3A_362 : vector<16xi1>
    %or3A_364 = arith.ori %gt3A_360, %and3A_363 : vector<16xi1>
    %select_n3A_365 = arith.select %or3A_364, %parallel_loop3A_276#6, %select_n3A_358 : vector<16xi1>, vector<16xf32>
    %select_n3A_366 = arith.select %or3A_364, %add3A_318, %select_n3A_359 : vector<16xi1>, vector<16xi32>
    %gt3A_367 = arith.cmpf ogt, %parallel_loop3A_276#7, %select_n3A_365 : vector<16xf32>
    %eq3A_368 = arith.cmpf oeq, %parallel_loop3A_276#7, %select_n3A_365 : vector<16xf32>
    %lt3A_369 = arith.cmpi slt, %add3A_324, %select_n3A_366 : vector<16xi32>
    %and3A_370 = arith.andi %eq3A_368, %lt3A_369 : vector<16xi1>
    %or3A_371 = arith.ori %gt3A_367, %and3A_370 : vector<16xi1>
    %select_n3A_372 = arith.select %or3A_371, %parallel_loop3A_276#7, %select_n3A_365 : vector<16xi1>, vector<16xf32>
    %select_n3A_373 = arith.select %or3A_371, %add3A_324, %select_n3A_366 : vector<16xi1>, vector<16xi32>
    %reduce_max3A_374 = arith.constant true
    %reduce_max3A_375 = vector.broadcast %reduce_max3A_374 : i1 to vector<16xi1>
    %reduce_max3A_376 = tpu.scan <max>, %select_n3A_372 masked %reduce_max3A_375 : vector<16xf32>, vector<16xi1> -> vector<16xf32>
    %reduce_max3A_377 = vector.extract %reduce_max3A_376[15] : f32 from vector<16xf32>
    %eq3A_378 = vector.broadcast %reduce_max3A_377 : f32 to vector<16xf32>
    %eq3A_379 = arith.cmpf oeq, %select_n3A_372, %eq3A_378 : vector<16xf32>
    %jit3A_380 = arith.constant 1073741824 : i32
    %broadcast_in_dim3A_381 = vector.broadcast %jit3A_380 : i32 to vector<16xi32>
    %select_n3A_382 = arith.select %eq3A_379, %select_n3A_373, %broadcast_in_dim3A_381 : vector<16xi1>, vector<16xi32>
    %reduce_min3A_383 = arith.constant true
    %reduce_min3A_384 = vector.broadcast %reduce_min3A_383 : i1 to vector<16xi1>
    %reduce_min3A_385 = arith.constant -2147483648 : i32
    %reduce_min3A_386 = vector.broadcast %reduce_min3A_385 : i32 to vector<16xi32>
    %reduce_min3A_387 = arith.xori %select_n3A_382, %reduce_min3A_386 : vector<16xi32>
    %reduce_min3A_388 = tpu.scan <min>, %reduce_min3A_387 masked %reduce_min3A_384 : vector<16xi32>, vector<16xi1> -> vector<16xi32>
    %reduce_min3A_389 = arith.xori %reduce_min3A_388, %reduce_min3A_386 : vector<16xi32>
    %reduce_min3A_390 = vector.extract %reduce_min3A_389[15] : i32 from vector<16xi32>
    %mul3A_391 = arith.constant 64 : i32
    %mul3A_392 = arith.muli %reduce_min3A_390, %mul3A_391 : i32
    %broadcast_in_dim3A_393 = arith.constant 1073741824 : i32
    %broadcast_in_dim3A_394 = vector.broadcast %broadcast_in_dim3A_393 : i32 to vector<16xi32>
    %add3A_395 = arith.constant 32768 : i32
    %add3A_396 = arith.addi %add3A_395, %mul3A_392 : i32
    %add3A_397 = arith.constant 0 : i32
    %add3A_398 = arith.addi %add3A_396, %add3A_397 : i32
    %get3A_399 = arith.index_cast %add3A_398 : i32 to index
    %get3A_400 = tpu.vector_load %arg6[%get3A_399] {strides = array<i32>} : memref<65536xf32, #tpu.memory_space<vmem>>, vector<16xf32>,
    %eq3A_401 = vector.broadcast %reduce_max3A_377 : f32 to vector<16xf32>
    %eq3A_402 = arith.cmpf oeq, %get3A_400, %eq3A_401 : vector<16xf32>
    %add3A_403 = arith.constant 0 : i32
    %add3A_404 = arith.addi %mul3A_392, %add3A_403 : i32
    %add3A_405 = vector.broadcast %add3A_404 : i32 to vector<16xi32>
    %add3A_406 = arith.addi %add3A_405, %iota3A : vector<16xi32>
    %jit3A_407 = arith.constant 1073741824 : i32
    %broadcast_in_dim3A_408 = vector.broadcast %jit3A_407 : i32 to vector<16xi32>
    %select_n3A_409 = arith.select %eq3A_402, %add3A_406, %broadcast_in_dim3A_408 : vector<16xi1>, vector<16xi32>
    %min3A_410 = arith.minsi %broadcast_in_dim3A_394, %select_n3A_409 : vector<16xi32>
    %add3A_411 = arith.constant 32768 : i32
    %add3A_412 = arith.addi %add3A_411, %mul3A_392 : i32
    %add3A_413 = arith.constant 16 : i32
    %add3A_414 = arith.addi %add3A_412, %add3A_413 : i32
    %get3A_415 = arith.index_cast %add3A_414 : i32 to index
    %get3A_416 = tpu.vector_load %arg6[%get3A_415] {strides = array<i32>} : memref<65536xf32, #tpu.memory_space<vmem>>, vector<16xf32>,
    %eq3A_417 = vector.broadcast %reduce_max3A_377 : f32 to vector<16xf32>
    %eq3A_418 = arith.cmpf oeq, %get3A_416, %eq3A_417 : vector<16xf32>
    %add3A_419 = arith.constant 16 : i32
    %add3A_420 = arith.addi %mul3A_392, %add3A_419 : i32
    %add3A_421 = vector.broadcast %add3A_420 : i32 to vector<16xi32>
    %add3A_422 = arith.addi %add3A_421, %iota3A : vector<16xi32>
    %jit3A_423 = arith.constant 1073741824 : i32
    %broadcast_in_dim3A_424 = vector.broadcast %jit3A_423 : i32 to vector<16xi32>
    %select_n3A_425 = arith.select %eq3A_418, %add3A_422, %broadcast_in_dim3A_424 : vector<16xi1>, vector<16xi32>
    %min3A_426 = arith.minsi %min3A_410, %select_n3A_425 : vector<16xi32>
    %add3A_427 = arith.constant 32768 : i32
    %add3A_428 = arith.addi %add3A_427, %mul3A_392 : i32
    %add3A_429 = arith.constant 32 : i32
    %add3A_430 = arith.addi %add3A_428, %add3A_429 : i32
    %get3A_431 = arith.index_cast %add3A_430 : i32 to index
    %get3A_432 = tpu.vector_load %arg6[%get3A_431] {strides = array<i32>} : memref<65536xf32, #tpu.memory_space<vmem>>, vector<16xf32>,
    %eq3A_433 = vector.broadcast %reduce_max3A_377 : f32 to vector<16xf32>
    %eq3A_434 = arith.cmpf oeq, %get3A_432, %eq3A_433 : vector<16xf32>
    %add3A_435 = arith.constant 32 : i32
    %add3A_436 = arith.addi %mul3A_392, %add3A_435 : i32
    %add3A_437 = vector.broadcast %add3A_436 : i32 to vector<16xi32>
    %add3A_438 = arith.addi %add3A_437, %iota3A : vector<16xi32>
    %jit3A_439 = arith.constant 1073741824 : i32
    %broadcast_in_dim3A_440 = vector.broadcast %jit3A_439 : i32 to vector<16xi32>
    %select_n3A_441 = arith.select %eq3A_434, %add3A_438, %broadcast_in_dim3A_440 : vector<16xi1>, vector<16xi32>
    %min3A_442 = arith.minsi %min3A_426, %select_n3A_441 : vector<16xi32>
    %add3A_443 = arith.constant 32768 : i32
    %add3A_444 = arith.addi %add3A_443, %mul3A_392 : i32
    %add3A_445 = arith.constant 48 : i32
    %add3A_446 = arith.addi %add3A_444, %add3A_445 : i32
    %get3A_447 = arith.index_cast %add3A_446 : i32 to index
    %get3A_448 = tpu.vector_load %arg6[%get3A_447] {strides = array<i32>} : memref<65536xf32, #tpu.memory_space<vmem>>, vector<16xf32>,
    %eq3A_449 = vector.broadcast %reduce_max3A_377 : f32 to vector<16xf32>
    %eq3A_450 = arith.cmpf oeq, %get3A_448, %eq3A_449 : vector<16xf32>
    %add3A_451 = arith.constant 48 : i32
    %add3A_452 = arith.addi %mul3A_392, %add3A_451 : i32
    %add3A_453 = vector.broadcast %add3A_452 : i32 to vector<16xi32>
    %add3A_454 = arith.addi %add3A_453, %iota3A : vector<16xi32>
    %jit3A_455 = arith.constant 1073741824 : i32
    %broadcast_in_dim3A_456 = vector.broadcast %jit3A_455 : i32 to vector<16xi32>
    %select_n3A_457 = arith.select %eq3A_450, %add3A_454, %broadcast_in_dim3A_456 : vector<16xi1>, vector<16xi32>
    %min3A_458 = arith.minsi %min3A_442, %select_n3A_457 : vector<16xi32>
    %reduce_min3A_459 = arith.constant true
    %reduce_min3A_460 = vector.broadcast %reduce_min3A_459 : i1 to vector<16xi1>
    %reduce_min3A_461 = arith.constant -2147483648 : i32
    %reduce_min3A_462 = vector.broadcast %reduce_min3A_461 : i32 to vector<16xi32>
    %reduce_min3A_463 = arith.xori %min3A_458, %reduce_min3A_462 : vector<16xi32>
    %reduce_min3A_464 = tpu.scan <min>, %reduce_min3A_463 masked %reduce_min3A_460 : vector<16xi32>, vector<16xi1> -> vector<16xi32>
    %reduce_min3A_465 = arith.xori %reduce_min3A_464, %reduce_min3A_462 : vector<16xi32>
    %reduce_min3A_466 = vector.extract %reduce_min3A_465[15] : i32 from vector<16xi32>
    %eq3A_467 = arith.constant 1 : i32
    %eq3A_468 = vector.broadcast %eq3A_467 : i32 to vector<16xi32>
    %eq3A_469 = arith.cmpi eq, %iota3A, %eq3A_468 : vector<16xi32>
    %broadcast_in_dim3A_470 = vector.broadcast %reduce_max3A_377 : f32 to vector<16xf32>
    %select_n3A_471 = arith.select %eq3A_469, %broadcast_in_dim3A_470, %select_n3A_233 : vector<16xi1>, vector<16xf32>
    %eq3A_472 = arith.constant 1 : i32
    %eq3A_473 = vector.broadcast %eq3A_472 : i32 to vector<16xi32>
    %eq3A_474 = arith.cmpi eq, %iota3A, %eq3A_473 : vector<16xi32>
    %broadcast_in_dim3A_475 = vector.broadcast %reduce_min3A_466 : i32 to vector<16xi32>
    %select_n3A_476 = arith.select %eq3A_474, %broadcast_in_dim3A_475, %select_n3A_238 : vector<16xi1>, vector<16xi32>
    %swap3A = arith.constant 0 : index
    %swap3A_477 = tpu.vector_load %arg8[%swap3A] {strides = array<i32>} : memref<16xf32, #tpu.memory_space<vmem>>, vector<16xf32>,
    tpu.vector_store %arg8[%swap3A], %select_n3A_471 {strides = array<i32>} : memref<16xf32, #tpu.memory_space<vmem>>, vector<16xf32>,
    %swap3A_478 = arith.constant 0 : index
    %swap3A_479 = tpu.vector_load %arg9[%swap3A_478] {strides = array<i32>} : memref<16xi32, #tpu.memory_space<vmem>>, vector<16xi32>,
    tpu.vector_store %arg9[%swap3A_478], %select_n3A_476 {strides = array<i32>} : memref<16xi32, #tpu.memory_space<vmem>>, vector<16xi32>,
    %dma_start3A_480 = arith.constant 0 : i32
    %dma_start3A_481 = tpu.memref_slice %arg4[%add3A, %dma_start3A_480] : memref<32x16xf32, #tpu.memory_space<hbm>> -> memref<1x16xf32, #tpu.memory_space<hbm>>
    %dma_start3A_482 = tpu.memref_squeeze %dma_start3A_481 : memref<1x16xf32, #tpu.memory_space<hbm>> -> memref<16xf32, #tpu.memory_space<hbm>>
    %dma_start3A_483 = arith.constant 0 : i32
    %dma_start3A_484 = tpu.memref_slice %arg4[%add3A, %dma_start3A_483] : memref<32x16xf32, #tpu.memory_space<hbm>> -> memref<1x16xf32, #tpu.memory_space<hbm>>
    %dma_start3A_485 = tpu.memref_squeeze %dma_start3A_484 : memref<1x16xf32, #tpu.memory_space<hbm>> -> memref<16xf32, #tpu.memory_space<hbm>>
    tpu.enqueue_dma source(%arg8 : memref<16xf32, #tpu.memory_space<vmem>>) target(%dma_start3A_485 : memref<16xf32, #tpu.memory_space<hbm>>) target_semaphore(%arg10 : memref<!tpu.dma_semaphore, #tpu.memory_space<semaphore_mem>>)
    "tpu.region"() ({
      %run_scoped3A = tpu.sem_alloc : memref<!tpu.dma_semaphore, #tpu.memory_space<semaphore_mem>>
      %dma_start3A_492 = arith.constant 0 : i32
      %dma_start3A_493 = tpu.memref_slice %arg5[%add3A, %dma_start3A_492] : memref<32x16xi32, #tpu.memory_space<hbm>> -> memref<1x16xi32, #tpu.memory_space<hbm>>
      %dma_start3A_494 = tpu.memref_squeeze %dma_start3A_493 : memref<1x16xi32, #tpu.memory_space<hbm>> -> memref<16xi32, #tpu.memory_space<hbm>>
      %dma_start3A_495 = arith.constant 0 : i32
      %dma_start3A_496 = tpu.memref_slice %arg5[%add3A, %dma_start3A_495] : memref<32x16xi32, #tpu.memory_space<hbm>> -> memref<1x16xi32, #tpu.memory_space<hbm>>
      %dma_start3A_497 = tpu.memref_squeeze %dma_start3A_496 : memref<1x16xi32, #tpu.memory_space<hbm>> -> memref<16xi32, #tpu.memory_space<hbm>>
      tpu.enqueue_dma source(%arg9 : memref<16xi32, #tpu.memory_space<vmem>>) target(%dma_start3A_497 : memref<16xi32, #tpu.memory_space<hbm>>) target_semaphore(%run_scoped3A : memref<!tpu.dma_semaphore, #tpu.memory_space<semaphore_mem>>)
      %dma_wait3A_498 = arith.constant 0 : i32
      %dma_wait3A_499 = tpu.memref_slice %arg5[%add3A, %dma_wait3A_498] : memref<32x16xi32, #tpu.memory_space<hbm>> -> memref<1x16xi32, #tpu.memory_space<hbm>>
      %dma_wait3A_500 = tpu.memref_squeeze %dma_wait3A_499 : memref<1x16xi32, #tpu.memory_space<hbm>> -> memref<16xi32, #tpu.memory_space<hbm>>
      %dma_wait3A_501 = arith.constant 0 : i32
      %dma_wait3A_502 = tpu.memref_slice %arg5[%add3A, %dma_wait3A_501] : memref<32x16xi32, #tpu.memory_space<hbm>> -> memref<1x16xi32, #tpu.memory_space<hbm>>
      %dma_wait3A_503 = tpu.memref_squeeze %dma_wait3A_502 : memref<1x16xi32, #tpu.memory_space<hbm>> -> memref<16xi32, #tpu.memory_space<hbm>>
      tpu.wait_dma2 semaphore(%run_scoped3A : memref<!tpu.dma_semaphore, #tpu.memory_space<semaphore_mem>>) src(%arg9 : memref<16xi32, #tpu.memory_space<vmem>>) dst(%dma_wait3A_503 : memref<16xi32, #tpu.memory_space<hbm>>)
      tpu.yield
    }) : () -> ()
    %dma_wait3A_486 = arith.constant 0 : i32
    %dma_wait3A_487 = tpu.memref_slice %arg4[%add3A, %dma_wait3A_486] : memref<32x16xf32, #tpu.memory_space<hbm>> -> memref<1x16xf32, #tpu.memory_space<hbm>>
    %dma_wait3A_488 = tpu.memref_squeeze %dma_wait3A_487 : memref<1x16xf32, #tpu.memory_space<hbm>> -> memref<16xf32, #tpu.memory_space<hbm>>
    %dma_wait3A_489 = arith.constant 0 : i32
    %dma_wait3A_490 = tpu.memref_slice %arg4[%add3A, %dma_wait3A_489] : memref<32x16xf32, #tpu.memory_space<hbm>> -> memref<1x16xf32, #tpu.memory_space<hbm>>
    %dma_wait3A_491 = tpu.memref_squeeze %dma_wait3A_490 : memref<1x16xf32, #tpu.memory_space<hbm>> -> memref<16xf32, #tpu.memory_space<hbm>>
    tpu.wait_dma2 semaphore(%arg10 : memref<!tpu.dma_semaphore, #tpu.memory_space<semaphore_mem>>) src(%arg8 : memref<16xf32, #tpu.memory_space<vmem>>) dst(%dma_wait3A_491 : memref<16xf32, #tpu.memory_space<hbm>>)
    return
  }
}

</mosaic_0001>

<sc_bundles>
// kernel: kernel.3.cloned.1.call-start
scs
__scs_entry_jumppad:
0x0: {  	(pc) =	sbr.rel $0x88, $3  }
0x1: {  	(tag) =	ssettag $0x0;
	lr =	simm.s32 $0x1  }
0x2: {  	[smem:$0x3F9F] =	sst lr;
	_ =	strace $0xD0000000  }
0x3: {  	_ = 	snop  }
0x4: {  	_ = 	snop  }
0x5: {  	_ = 	snop  }
0x6: {  	_ = 	snop  }
0x7: {  	_ = 	snop  }
__scs_overlays_trampoline_lowered:
0x8: {  	[smem:$0x3FAE] =	sst s0  }
0x9: {  	[smem:$0x3FAF] =	sst s1  }
0xa: {  	[smem:$0x3FB0] =	sst s2  }
0xb: {  	[smem:$0x3FB1] =	sst s3  }
0xc: {  	[smem:$0x3FB2] =	sst s4  }
0xd: {  	[smem:$0x3FB3] =	sst s5  }
0xe: {  	[smem:$0x3FB4] =	sst s6  }
0xf: {  	[smem:$0x3FB5] =	sst s7  }
0x10: {  	[smem:$0x3FB6] =	sst s8  }
0x11: {  	[smem:$0x3FB7] =	sst s9;
	s0 =	simm.s32 @!p0 $0x0  }
0x12: {  	s1 =	sld [smem:$0x3F9D];
	s0 =	simm.s32 @p0 $0x1  }
0x13: {  	[smem:$0x3FB8] =	sst s0;
	s0 =	simm.s32 @!p1 $0x0  }
0x14: {  	s2 =	sld [smem:$0x3F9C];
	s0 =	simm.s32 @p1 $0x1  }
0x15: {  	[smem:$0x3FB9] =	sst s0;
	s0 =	simm.s32 @!p2 $0x0  }
0x16: {  	s3 =	sld [smem:$0x3FDB];
	s0 =	simm.s32 @p2 $0x1  }
0x17: {  	s4 =	simm.s32 $0x1BF5;
	[smem:$0x3FBB] =	sst s0  }
0x18: {  	s0 =	sld [smem:$0x3F9E];
	_ =	swait.ge [sflag:s4], $0x0  }
0x19: {  	s7 =	sld [smem:$0x3F9F]  }
0x1a: {  	s8 =	sadd.s32 $0xFFFFE003, lr  }
0x1b: {  	s9 =	sadd.s32 $0xFFFFFEF7, lr;
	s5 =	simm.s32 $0xFFFFFFFF;
	p2 =	slt.u32 s8, $0xFFFFF086  }
0x1c: {  	p1 =	slt.u32 s9, $0xF7A;
	s5 =	simm.s32 @!p2 $0x0  }
0x1d: {  	s5 =	simm.s32 @p1 $0x1;
	p0 =	seq.s32 s7, s2  }
0x1e: {  	s7 =	smul.u32 @!p0 $0xF7A, s2;
	p2 =	seq.s32 @!p0 s5, $0x0  }
0x1f: {  	s9 =	smul.u32 $0xF7A, s1;
	s8 =	simm.s32 @!p0 $0x1BF5;
	p2 =	por !p2, p0  }
0x20: {  	[sflag:s8] =	ssyncset.s32 @!p0 $0xFFFFF086;
	s6 =	sadd.s32 @!p0 s3, s7;
	s7 =	simm.s32 @!p0 $0x108  }
0x21: {  	s3 =	sadd.s32 s3, s9;
	s6 =	sadd.s32 @!p0 $0x88, s6;
	s7 =	simm.s32 @p2 $0x1082  }
0x22: {  	[simem:s7], [sflag:s8] =	dma.local @!p0 [hbm:s6], $0xF7A  }
0x23: {  	s9 =	sor.u32 $0xD0000000, s2;
	s6 =	simm.s32 $0x108;
	_ =	swait.ge @!p0 [sflag:s8], $0x0  }
0x24: {  	s3 =	sadd.s32 $0x88, s3;
	s6 =	simm.s32 @!p1 $0x1082;
	[sflag:s4] =	ssyncset.s32 $0xFFFFF086  }
0x25: {  	[simem:s6], [sflag:s4] =	dma.local [hbm:s3], $0xF7A  }
0x26: {  	[smem:$0x3F9F] =	sst s1;
	(tag) =	ssettag s2;
	_ =	strace s9  }
0x27: {  	s1 =	sld [smem:$0x3FAF]  }
0x28: {  	s2 =	sld [smem:$0x3FB0]  }
0x29: {  	s4 =	sld [smem:$0x3FB2]  }
0x2a: {  	p0 =	seq.s32 s5, $0x0;
	s5 =	sld [smem:$0x3FB3]  }
0x2b: {  	s6 =	sld [smem:$0x3FB4]  }
0x2c: {  	s7 =	sld [smem:$0x3FB5]  }
0x2d: {  	s3 =	simm.s32 $0x108;
	s8 =	sld [smem:$0x3FB6]  }
0x2e: {  	s3 =	simm.s32 @!p0 $0x1082;
	s9 =	sld [smem:$0x3FB7]  }
0x2f: {  	lr =	sadd.s32 s0, s3;
	s0 =	sld [smem:$0x3FAE]  }
0x30: {  	s3 =	sld [smem:$0x3FB1]  }
0x31: {  	[smem:$0x3FBA] =	sst s10  }
0x32: {  	s10 =	sld [smem:$0x3FB8];
	_ =	sdelay $0x3  }
0x33: {  	p0 =	seq.s32 s10, $0x1;
	s10 =	sld [smem:$0x3FBA];
	_ =	sdelay $0x3  }
0x34: {  	[smem:$0x3FBA] =	sst s10  }
0x35: {  	s10 =	sld [smem:$0x3FB9];
	_ =	sdelay $0x3  }
0x36: {  	p1 =	seq.s32 s10, $0x1;
	s10 =	sld [smem:$0x3FBA];
	_ =	sdelay $0x3  }
0x37: {  	[smem:$0x3FBA] =	sst s10  }
0x38: {  	s10 =	sld [smem:$0x3FBB]  }
0x39: {  	_ = 	snop;
	(pc) =	sbr.ind lr, $3  }
0x3a: {  	_ = 	snop  }
0x3b: {  	_ = 	snop  }
0x3c: {  	p2 =	seq.s32 s10, $0x1;
	s10 =	sld [smem:$0x3FBA]  }
0x3d: {  	_ =	shalt  }
0x3e: {  	_ =	shalt  }
0x3f: {  	_ =	shalt  }
0x40: {  	_ =	shalt  }
0x41: {  	_ =	shalt  }
0x42: {  	_ =	shalt  }
0x43: {  	_ =	shalt  }
0x44: {  	_ =	shalt  }
0x45: {  	_ =	shalt  }
0x46: {  	_ =	shalt  }
0x47: {  	_ =	shalt  }
0x48: {  	_ =	shalt  }
0x49: {  	_ =	shalt  }
0x4a: {  	_ =	shalt  }
0x4b: {  	_ =	shalt  }
0x4c: {  	_ =	shalt  }
0x4d: {  	_ =	shalt  }
0x4e: {  	_ =	shalt  }
0x4f: {  	_ =	shalt  }
0x50: {  	_ =	shalt  }
0x51: {  	_ =	shalt  }
0x52: {  	_ =	shalt  }
0x53: {  	_ =	shalt  }
0x54: {  	_ =	shalt  }
0x55: {  	_ =	shalt  }
0x56: {  	_ =	shalt  }
0x57: {  	_ =	shalt  }
0x58: {  	_ =	shalt  }
0x59: {  	_ =	shalt  }
0x5a: {  	_ =	shalt  }
0x5b: {  	_ =	shalt  }
0x5c: {  	_ =	shalt  }
0x5d: {  	_ =	shalt  }
0x5e: {  	_ =	shalt  }
0x5f: {  	_ =	shalt  }
0x60: {  	_ =	shalt  }
0x61: {  	_ =	shalt  }
0x62: {  	_ =	shalt  }
0x63: {  	_ =	shalt  }
0x64: {  	_ =	shalt  }
0x65: {  	_ =	shalt  }
0x66: {  	_ =	shalt  }
0x67: {  	_ =	shalt  }
0x68: {  	_ =	shalt  }
0x69: {  	_ =	shalt  }
0x6a: {  	_ =	shalt  }
0x6b: {  	_ =	shalt  }
0x6c: {  	_ =	shalt  }
0x6d: {  	_ =	shalt  }
0x6e: {  	_ =	shalt  }
0x6f: {  	_ =	shalt  }
0x70: {  	_ =	shalt  }
0x71: {  	_ =	shalt  }
0x72: {  	_ =	shalt  }
0x73: {  	_ =	shalt  }
0x74: {  	_ =	shalt  }
0x75: {  	_ =	shalt  }
0x76: {  	_ =	shalt  }
0x77: {  	_ =	shalt  }
0x78: {  	_ =	shalt  }
0x79: {  	_ =	shalt  }
0x7a: {  	_ =	shalt  }
0x7b: {  	_ =	shalt  }
0x7c: {  	_ =	shalt  }
0x7d: {  	_ =	shalt  }
0x7e: {  	_ =	shalt  }
0x7f: {  	_ =	shalt  }
0x80: {  	_ =	shalt  }
0x81: {  	_ =	shalt  }
0x82: {  	_ =	shalt  }
0x83: {  	_ =	shalt  }
0x84: {  	_ =	shalt  }
0x85: {  	_ =	shalt  }
0x86: {  	_ =	shalt  }
0x87: {  	_ =	shalt  }
.Lfunc_end0:
.L_simem_size_0:
called_computation_lowered:
.L_overlay_start_0:
0x88: {  	s2 =	sld [smem:$0x3FD9]  }
0x89: {  	s3 =	sld [smem:$0x3FFE];
	_ =	sdelay $0x1  }
0x8a: {  	s1 =	srdreg.scid  }
0x8b: {  	s0 =	sand.u32 $0x1, s1  }
0x8c: {  	s17 =	sshll.u32 s0, $0xA;
	s2 =	sadd.s32 s3, s2  }
0x8d: {  	s2 =	sadd.s32 s2, s17  }
0x8e: {  	[smem:$0x3FC6] =	sst s2  }
0x8f: {  	_ = 	snop  }
0x90: {  	s2 =	sld [smem:$0x3FC9]  }
0x91: {  	s18 =	sld [smem:$0x3FC8];
	(tm) =	ssettm $0x1  }
0x92: {  	s4 =	sld [smem:$0x3FFB];
	_ =	sdelay $0x3  }
0x93: {  	_ =	strace s4  }
0x94: {  	s4 =	sld [smem:$0x3FFC];
	_ =	sdelay $0x3  }
0x95: {  	_ =	strace s4  }
0x96: {  	s4 =	sld [smem:$0x3FFD];
	_ =	sdelay $0x3  }
0x97: {  	_ =	strace s4  }
0x98: {  	_ =	strace $0x8FFFFFFF  }
0x99: {  	s19 =	sld [smem:$0x3FDB];
	_ =	sdelay $0x1  }
0x9a: {  	s5 =	simm.s32 $_scs_section_size  }
0x9b: {  	s6 =	simm.s32 $_size__tile_overlayer_lowered;
	s7 =	simm.s32 $_tile_overlayer_lowered  }
0x9c: {  	s22 =	simm.s32 $0x1BFF;
	s21 =	sshll.u32 s7, $0x1;
	s4 =	sadd.s32 s5, s19  }
0x9d: {  	s8 =	simm.s32 $0x0;
	s20 =	sshll.u32 s6, $0x1;
	s6 =	sadd.s32 s21, s4  }
0x9e: {  	[timem:s8], [sflag:s22] =	dma.local [hbm:s6], s20  }
0x9f: {  	_ =	swait.ge [sflag:s22], s20  }
0xa0: {  	s5 =	ssub.s32 $0x0, s20;
	[sflag:s22] =	ssyncset.done $0x0  }
0xa1: {  	[sflag:s22] =	ssyncadd.s32 s5;
	_ =	sdelay $0x1  }
0xa2: {  	s23 =	simm.s32 $0x1B8B  }
0xa3: {  	_ =	swait.ge [sflag:s23], $0x1  }
0xa4: {  	[sflag:s23] =	ssyncset.done $0x0  }
0xa5: {  	s25 =	simm.s32 $0x1B8E;
	s24 =	sld [smem:$0x3FFE];
	[sflag:s23] =	ssyncadd.s32 $0xFFFFFFFF  }
0xa6: {  	s26 =	simm.s32 $execute0_lowered;
	[smem:$0x3FD2] =	sst s25  }
0xa7: {  	s6 =	sshll.u32 s26, $0x1;
	_ =	strace $0x80000046;
	[dreg:$0x1] =	wrdreg $0xFFFFFFFF  }
0xa8: {  	s28 =	simm.s32 $_size_execute0_lowered;
	s4 =	sadd.s32 s4, s6;
	[dreg:$0x0] =	wrdreg $0x0  }
0xa9: {  	s6 =	sshll.u32 s28, $0x1;
	[dreg:$0x2] =	wrdreg s4  }
0xaa: {  	[dreg:$0x3] =	wrdreg s6  }
0xab: {  	[dreg:$0x4] =	wrdreg $0xC0  }
0xac: {  	_ =	task [dreg:s8], $0x5FFFF  }
0xad: {  	[dreg:$0x1] =	wrdreg $0xFFFFFFFF  }
0xae: {  	[dreg:$0x0] =	wrdreg $0x60  }
0xaf: {  	[dreg:$0x2] =	wrdreg s2  }
0xb0: {  	[dreg:$0x3] =	wrdreg s18  }
0xb1: {  	[dreg:$0x4] =	wrdreg s24  }
0xb2: {  	[dreg:$0x5] =	wrdreg $0x9  }
0xb3: {  	_ =	task.clear_ibuf [dreg:s8], $0x6FFFF;
	_ =	strace $0x90000046  }
0xb4: {  	s29 =	simm.s32 $0x9;
	_ =	strace $0x80000048  }
0xb5: {  	_ =	swait.ge [sflag:s29], $0x1  }
0xb6: {  	[sflag:s29] =	ssyncadd.s32 $0xFFFFFFFF  }
0xb7: {  	_ =	strace $0x90000048  }
0xb8: {  	_ =	sfence  }
0xb9: {  	s30 =	sld [smem:$0x0];
	_ =	sdelay $0x2  }
0xba: {  	s31 =	sshll.u32 s1, $0xD;
	s1 =	sshrl.u32 s1, $0x2  }
0xbb: {  	s3 =	sand.u32 $0x4000, s31;
	s1 =	sadd.s32 s1, s30  }
0xbc: {  	s0 =	sor.u32 s3, s0;
	s1 =	sshll.u32 s1, $0x11  }
0xbd: {  	s0 =	sor.u32 s1, s0  }
0xbe: {  	s0 =	sadd.s32 $0x8F2B, s0  }
0xbf: {  	[sflag:s0] =	ssyncadd.remote.s32 $0x1  }
0xc0: {  	_ =	sfence.sel $0xFFFF  }
0xc1: {  	[dreg:$0x0] =	wrdreg $0xFFFFFFFF;
	(pc) =	sbr.abs _section_cstart, $3  }
0xc2: {  	[dreg:$0x1] =	wrdreg $0xFFFFFFFF  }
0xc3: {  	_ =	task.clear_ibuf [dreg:s8], $0x2FFFF;
	_ =	strace $0x9FFFFFFF  }
0xc4: {  	(tm) =	ssettm $0x7FFFFFFF  }
0xc5: {  	_ =	shalt  }
tec
execute0_lowered:
.L_overlay_start_1:
0x0: {  	(tag) =	ssettag $0x1  }
0x1: {  	s4 =	rddreg [dreg:$0x0]  }
0x2: {  	s0 =	srdreg.scid;
	s2 =	rddreg [dreg:$0x1]  }
0x3: {  	s6 =	rddreg [dreg:$0x2];
	s1 =	stileid.u32;
	s11 =	simm.s32 $0x11000  }
0x4: {  	s12 =	simm.s32 $0x11080;
	s13 =	simm.s32 $0x0;
	s5 =	sand.u32 $0x1, s0  }
0x5: {  	s0 =	rddreg [dreg:$0x3];
	s9 =	sshll.u32 s1, $0x4;
	s3 =	sshll.u32 s5, $0x4  }
0x6: {  	s9 =	sand.u32 $0x70, s9;
	s5 =	ssub.s32 $0x2, s5;
	s7 =	sor.u32 s1, s3  }
0x7: {  	s3 =	simm.s32 $0x0;
	s30 =	sshrl.u32 s5, $0x1;
	s8 =	sshll.u32 s7, $0x4  }
0x8: {  	[smem:$0x7FF] =	sst s3;
	s31 =	sshll.u32 s7, $0xD;
	s8 =	sand.u32 $0x180, s8  }
0x9: {  	s10 =	sshll.u32 s7, $0x10;
	_ =	strace $0x80000047;
	s8 =	sor.u32 s9, s8  }
0xa: {  	s4 =	sadd.s32 s4, s31;
	v0 =	vmov s10;
	s10 =	simm.s32 $0x1;
	s6 =	sadd.s32 s8, s6  }
0xb: {  	v1 =	vimm.f32 $-3.402823470e+38;
	v2 =	vlaneseq.u32;
	s9 =	simm.s32 $0x2;
	s8 =	ssub.s32 s5, s30;
	s5 =	sadd.s32 $0x800, s6  }
0xc: {  	vm0 =	vcmask $0x308;
	vm1 =	vcmask $0x300;
	vm2 =	vcmask $0x704;
	s6 =	sadd.s32 $0xA00, s6;
	s7 =	smax.u32 s8, $0x1;
	s8 =	simm.s32 $0x10000  }
.LBB2_1:
0xd: {  	[tilespmem:s3], [sflag:$0x1] =	stream.linear.gather [hbm4b:s4+s3], $0x10000, $0x38;
	[tilespmem:$0x11100] =	vst v63  }
0xe: {  	_ = 	snop  }
0xf: {  	[tilespmem:s8], [sflag:$0x2] =	stream.linear.gather [hbm4b:s2+s3], $0x1000, $0x38;
	[tilespmem:$0x11100] =	vst v63  }
0x10: {  	_ =	swait.ge [sflag:s9], $0x1000  }
0x11: {  	[sflag:s9] =	ssyncset.done $0x0  }
0x12: {  	[sflag:s9] =	ssyncadd.s32 $0xFFFFF000  }
0x13: {  	_ =	swait.ge [sflag:s10], $0x10000  }
0x14: {  	[sflag:s10] =	ssyncset.done $0x0  }
0x15: {  	s14 =	simm.s32 $0x10020;
	[sflag:s10] =	ssyncadd.s32 $0xFFFF0000  }
0x16: {  	v3 =	vld [tilespmem:s14+$0xFFFFFFE0]  }
0x17: {  	v4 =	vld [tilespmem:s14+$0x10]  }
0x18: {  	v5 =	vld [tilespmem:s14+$0x0]  }
0x19: {  	s31 =	simm.s32 $0x10060;
	v6 =	vld [tilespmem:s14+$0xFFFFFFF0]  }
0x1a: {  	v7 =	vld [tilespmem:s31+$0xFFFFFFE0]  }
0x1b: {  	v8 =	vld [tilespmem:s31+$0x10];
	v3 =	vsub.s32 v3, v0  }
0x1c: {  	v10 =	vld [tilespmem:s31+$0x0];
	v4 =	vsub.s32 v4, v0;
	vm5 =	vlt.u32 v3, $0x10000  }
0x1d: {  	v13 =	vld [tilespmem:s31+$0xFFFFFFF0];
	vm7 =	vlt.u32 v4, $0x10000;
	v3 =	vnsel vm5, $0x0, v3  }
0x1e: {  	v5 =	vsub.s32 v5, v0;
	v6 =	vsub.s32 v6, v0;
	v4 =	vnsel vm7, $0x0, v4  }
0x1f: {  	vm3 =	vlt.u32 v5, $0x10000;
	vm4 =	vlt.u32 v6, $0x10000  }
0x20: {  	s14 =	simm.s32 $0x100A0;
	v7 =	vsub.s32 v7, v0;
	v6 =	vnsel vm4, $0x0, v6;
	vm6 =	vmmov vm3  }
0x21: {  	v9 =	vld [tilespmem:s14+$0xFFFFFFE0];
	v14 =	vsub.s32 v8, v0;
	v12 =	vsub.s32 v10, v0;
	v5 =	vnsel vm3, $0x0, v5  }
0x22: {  	v11 =	vld [tilespmem:s14+$0x0];
	v13 =	vsub.s32 v13, v0;
	vm3 =	vlt.u32 v7, $0x10000;
	[tilespmem:v3+s3+$0x0] =	vst.idx.msk vm5, v1;
	vm5 =	vlt.u32 v14, $0x10000  }
0x23: {  	s16 =	simm.s32 $0x80;
	v8 =	vld [tilespmem:s14+$0x10];
	v7 =	vnsel vm3, $0x0, v7;
	[tilespmem:v4+s3+$0x0] =	vst.idx.msk vm7, v1;
	vm7 =	vlt.u32 v12, $0x10000;
	v10 =	vnsel vm5, $0x0, v14  }
.LBB2_2:
0x24: {  	s16 =	sadd.s32 $0x40, s16  }
0x25: {  	v14 =	vld [tilespmem:s14+$0xFFFFFFF0];
	v3 =	vimm.s32 $0x0;
	[tilespmem:v6+s3+$0x0] =	vst.idx.msk vm4, v1;
	vm4 =	vlt.u32 v13, $0x10000;
	v4 =	vimm.f32 $-Inf;
	s15 =	simm.s32 $0x100;
	p0 =	slt.u32 s16, $0xFC0  }
.Ltmp0:
0x26: {  	v6 =	vnsel vm4, $0x0, v13;
	[tilespmem:v5+s3+$0x0] =	vst.idx.msk vm6, v1;
	v5 =	vnsel vm7, $0x0, v12;
	vm6 =	vmmov vm7;
	(pc) =	sbr.rel @p0 .LBB2_2-.Ltmp0, $4  }
0x27: {  	s14 =	sadd.s32 $0x40, s14;
	v12 =	vsub.s32 v9, v0  }
0x28: {  	v9 =	vld [tilespmem:s14+$0xFFFFFFE0];
	v15 =	vsub.s32 v8, v0;
	[tilespmem:v7+s3+$0x0] =	vst.idx.msk vm3, v1;
	vm3 =	vlt.u32 v12, $0x10000  }
0x29: {  	v8 =	vld [tilespmem:s14+$0x10];
	v7 =	vnsel vm3, $0x0, v12;
	v12 =	vsub.s32 v11, v0;
	[tilespmem:v10+s3+$0x0] =	vst.idx.msk vm5, v1;
	vm5 =	vlt.u32 v15, $0x10000  }
0x2a: {  	v11 =	vld [tilespmem:s14+$0x0];
	v13 =	vsub.s32 v14, v0;
	vm7 =	vlt.u32 v12, $0x10000;
	v10 =	vnsel vm5, $0x0, v15  }
0x2b: {  	_ =	sdelay $0x2  }
0x2c: {  	v14 =	vld [tilespmem:s14+$0xFFFFFFF0];
	_ =	sdelay $0x1  }
0x2d: {  	vm8 =	vlt.u32 v13, $0x10000;
	[tilespmem:v6+s3+$0x0] =	vst.idx.msk vm4, v1;
	v6 =	vnsel vm7, $0x0, v12;
	v9 =	vsub.s32 v9, v0  }
0x2e: {  	v13 =	vnsel vm8, $0x0, v13;
	vm10 =	vlt.u32 v9, $0x10000;
	v8 =	vsub.s32 v8, v0  }
0x2f: {  	[tilespmem:v5+s3+$0x0] =	vst.idx.msk vm6, v1;
	v9 =	vnsel vm10, $0x0, v9;
	v5 =	vsub.s32 v11, v0;
	vm4 =	vlt.u32 v8, $0x10000  }
0x30: {  	[tilespmem:v7+s3+$0x0] =	vst.idx.msk vm3, v1;
	v11 =	vsub.s32 v14, v0;
	vm3 =	vlt.u32 v5, $0x10000;
	v7 =	vnsel vm4, $0x0, v8  }
0x31: {  	[tilespmem:v10+s3+$0x0] =	vst.idx.msk vm5, v1;
	vm6 =	vlt.u32 v11, $0x10000;
	v5 =	vnsel vm3, $0x0, v5  }
0x32: {  	[tilespmem:v6+s3+$0x0] =	vst.idx.msk vm7, v1;
	v8 =	vnsel vm6, $0x0, v11  }
0x33: {  	[tilespmem:v13+s3+$0x0] =	vst.idx.msk vm8, v1  }
0x34: {  	[tilespmem:v9+s3+$0x0] =	vst.idx.msk vm10, v1  }
0x35: {  	[tilespmem:v7+s3+$0x0] =	vst.idx.msk vm4, v1  }
0x36: {  	[tilespmem:v5+s3+$0x0] =	vst.idx.msk vm3, v1  }
0x37: {  	[tilespmem:v8+s3+$0x0] =	vst.idx.msk vm6, v1  }
0x38: {  	v15 =	vld [tilespmem:s15+$0x90]  }
0x39: {  	v6 =	vld [tilespmem:s15+$0xFFFFFF10]  }
0x3a: {  	v5 =	vld [tilespmem:s15+$0xF0]  }
0x3b: {  	v7 =	vld [tilespmem:s15+$0xFFFFFF00]  }
0x3c: {  	v8 =	vld [tilespmem:s15+$0xFFFFFF20]  }
0x3d: {  	v11 =	vld [tilespmem:s15+$0xFFFFFF30]  }
0x3e: {  	v9 =	vld [tilespmem:s15+$0xFFFFFF50]  }
0x3f: {  	v12 =	vld [tilespmem:s15+$0xFFFFFF40]  }
0x40: {  	v10 =	vld [tilespmem:s15+$0xFFFFFF60]  }
0x41: {  	v13 =	vld [tilespmem:s15+$0xFFFFFF80]  }
0x42: {  	v14 =	vld [tilespmem:s15+$0xFFFFFF90]  }
0x43: {  	v16 =	vld [tilespmem:s15+$0xFFFFFFA0]  }
0x44: {  	v17 =	vld [tilespmem:s15+$0xFFFFFFE0]  }
0x45: {  	v18 =	vld [tilespmem:s15+$0xFFFFFFB0]  }
0x46: {  	v19 =	vld [tilespmem:s15+$0xFFFFFFF0]  }
0x47: {  	v22 =	vld [tilespmem:s15+$0xFFFFFF70]  }
0x48: {  	v24 =	vld [tilespmem:s15+$0x20]  }
0x49: {  	v25 =	vld [tilespmem:s15+$0x30]  }
0x4a: {  	v20 =	vld [tilespmem:s15+$0xFFFFFFC0]  }
0x4b: {  	vm9 =	vmmov vm7;
	v21 =	vld [tilespmem:s15+$0xFFFFFFD0]  }
0x4c: {  	vm5 =	vmmov vm3;
	v23 =	vld [tilespmem:s15+$0xB0];
	v16 =	vmax.f32 v16, v18;
	v13 =	vmax.f32 v13, v14  }
0x4d: {  	v30 =	vld [tilespmem:s15+$0x80];
	v14 =	vmax.f32 v17, v19;
	v19 =	vmax.f32 v10, v22;
	v9 =	vmax.f32 v12, v9  }
0x4e: {  	v32 =	vld [tilespmem:s15+$0x0];
	v26 =	vmax.f32 v24, v25;
	v8 =	vmax.f32 v8, v11;
	v6 =	vmax.f32 v7, v6  }
0x4f: {  	v18 =	vld [tilespmem:s15+$0x40];
	v22 =	vimm.s32 $0x0;
	v7 =	vimm.f32 $-Inf;
	v12 =	vimm.s32 $0x0  }
0x50: {  	v17 =	vld [tilespmem:s15+$0x70];
	v11 =	vimm.s32 $0x0;
	v13 =	vmax.f32 v13, v16;
	v16 =	vmax.f32 v20, v21  }
0x51: {  	v20 =	vld [tilespmem:s15+$0x60];
	v29 =	vmax.f32 v9, v19;
	v35 =	vmax.f32 v6, v8;
	v21 =	vimm.f32 $-Inf  }
0x52: {  	v6 =	vimm.f32 $-Inf;
	vm3 =	vgt.f32 v13, v4;
	v14 =	vmax.f32 v16, v14;
	v16 =	vld [tilespmem:s15+$0x50]  }
0x53: {  	v34 =	vld [tilespmem:s15+$0xA0];
	v10 =	vsel vm3, v13, v4;
	v13 =	vsel vm3, v3, v3;
	vm3 =	vgt.f32 v14, v4  }
0x54: {  	v33 =	vld [tilespmem:s15+$0xE0];
	v9 =	vsel vm3, v14, v4;
	v14 =	vsel vm3, v3, v3;
	vm3 =	vgt.f32 v29, v4  }
0x55: {  	v24 =	vld [tilespmem:s15+$0x10];
	v8 =	vimm.s32 $0x0;
	vm4 =	vgt.f32 v35, v4;
	v19 =	vsel vm3, v3, v3  }
0x56: {  	v27 =	vld [tilespmem:s15+$0xD0];
	v31 =	vmax.f32 v20, v17;
	v20 =	vimm.s32 $0x0;
	v17 =	vimm.s32 $0x0  }
0x57: {  	s14 =	simm.s32 $0x0;
	v25 =	vld [tilespmem:s15+$0xC0];
	s15 =	simm.s32 $0x300;
	v28 =	vmax.f32 v18, v16;
	v18 =	vimm.f32 $-Inf;
	v16 =	vimm.f32 $-Inf  }
.LBB2_4:
0x58: {  	v36 =	vld [tilespmem:s15+$0x90];
	s14 =	sadd.s32 $0x200, s14;
	v4 =	vsel vm4, v35, v4;
	v20 =	vsel vm4, v3, v20;
	v22 =	vadd.s32 $0x1, v22  }
0x59: {  	v21 =	vsel vm3, v29, v21;
	v15 =	vmax.f32 v30, v15;
	v35 =	vld [tilespmem:s15+$0xFFFFFF10];
	p0 =	slt.u32 s14, $0x7E00;
	v23 =	vmax.f32 v34, v23  }
0x5a: {  	v24 =	vmax.f32 v32, v24;
	v23 =	vmax.f32 v15, v23;
	v15 =	vmax.f32 v33, v5;
	v5 =	vld [tilespmem:s15+$0xF0]  }
0x5b: {  	v24 =	vmax.f32 v24, v26;
	v26 =	vmax.f32 v28, v31;
	v33 =	vld [tilespmem:s15+$0xFFFFFF00];
	vm3 =	vgt.f32 v23, v7  }
0x5c: {  	vm4 =	vgt.f32 v24, v18;
	vm5 =	vgt.f32 v26, v16;
	v28 =	vld [tilespmem:s15+$0xFFFFFF20];
	v25 =	vmax.f32 v25, v27  }
0x5d: {  	v16 =	vsel vm5, v26, v16;
	v12 =	vsel vm5, v3, v12;
	v27 =	vld [tilespmem:s15+$0xFFFFFF30];
	v25 =	vmax.f32 v25, v15;
	v15 =	vmovc v36  }
0x5e: {  	v18 =	vsel vm4, v24, v18;
	v17 =	vsel vm4, v3, v17;
	v7 =	vsel vm3, v23, v7;
	v26 =	vld [tilespmem:s15+$0xFFFFFF50]  }
0x5f: {  	v11 =	vsel vm3, v3, v11;
	vm3 =	vgt.f32 v25, v6;
	v29 =	vld [tilespmem:s15+$0xFFFFFF40]  }
0x60: {  	v6 =	vsel vm3, v25, v6;
	v8 =	vsel vm3, v3, v8;
	v3 =	vmov v22;
	v30 =	vld [tilespmem:s15+$0xFFFFFF60]  }
0x61: {  	v25 =	vld [tilespmem:s15+$0xFFFFFF70]  }
0x62: {  	v31 =	vld [tilespmem:s15+$0xFFFFFF80]  }
0x63: {  	v32 =	vld [tilespmem:s15+$0xFFFFFF90]  }
0x64: {  	v34 =	vld [tilespmem:s15+$0xFFFFFFA0]  }
0x65: {  	v23 =	vld [tilespmem:s15+$0xB0]  }
0x66: {  	v36 =	vld [tilespmem:s15+$0xFFFFFFE0]  }
0x67: {  	v37 =	vld [tilespmem:s15+$0xFFFFFFB0]  }
0x68: {  	v38 =	vld [tilespmem:s15+$0xFFFFFFF0]  }
0x69: {  	v39 =	vld [tilespmem:s15+$0xFFFFFFC0]  }
0x6a: {  	v40 =	vld [tilespmem:s15+$0xFFFFFFD0]  }
0x6b: {  	v24 =	vld [tilespmem:s15+$0x10]  }
0x6c: {  	v34 =	vmax.f32 v34, v37;
	v37 =	vld [tilespmem:s15+$0x20]  }
0x6d: {  	v36 =	vmax.f32 v36, v38;
	v38 =	vld [tilespmem:s15+$0x30]  }
0x6e: {  	v31 =	vmax.f32 v31, v32;
	v41 =	vld [tilespmem:s15+$0x40]  }
0x6f: {  	v31 =	vmax.f32 v31, v34;
	v32 =	vmax.f32 v39, v40;
	v39 =	vld [tilespmem:s15+$0x70]  }
0x70: {  	v25 =	vmax.f32 v30, v25;
	vm3 =	vgt.f32 v31, v10;
	v32 =	vmax.f32 v32, v36;
	v36 =	vld [tilespmem:s15+$0x50]  }
0x71: {  	v10 =	vsel vm3, v31, v10;
	v13 =	vsel vm3, v22, v13;
	v31 =	vld [tilespmem:s15+$0x60]  }
0x72: {  	v29 =	vmax.f32 v29, v26;
	vm3 =	vgt.f32 v32, v9;
	v26 =	vmax.f32 v37, v38;
	v30 =	vld [tilespmem:s15+$0x80]  }
.Ltmp1:
0x73: {  	v29 =	vmax.f32 v29, v25;
	v9 =	vsel vm3, v32, v9;
	v14 =	vsel vm3, v22, v14;
	v32 =	vld [tilespmem:s15+$0x0];
	(pc) =	sbr.rel @p0 .LBB2_4-.Ltmp1, $4  }
0x74: {  	v25 =	vmax.f32 v28, v27;
	vm3 =	vgt.f32 v29, v21;
	v34 =	vld [tilespmem:s15+$0xA0]  }
0x75: {  	v27 =	vmax.f32 v33, v35;
	v19 =	vsel vm3, v22, v19;
	v28 =	vmax.f32 v41, v36;
	v33 =	vld [tilespmem:s15+$0xE0]  }
0x76: {  	v35 =	vmax.f32 v27, v25;
	v25 =	vld [tilespmem:s15+$0xC0]  }
0x77: {  	vm4 =	vgt.f32 v35, v4;
	v31 =	vmax.f32 v31, v39;
	v27 =	vld [tilespmem:s15+$0xD0];
	s15 =	sadd.s32 $0x200, s15  }
0x78: {  	v4 =	vsel vm4, v35, v4;
	v20 =	vsel vm4, v3, v20;
	v21 =	vsel vm3, v29, v21  }
0x79: {  	v15 =	vmax.f32 v30, v15;
	v19 =	vshll.u32 v19, $0x3;
	v13 =	vshll.u32 v13, $0x3  }
0x7a: {  	v14 =	vshll.u32 v14, $0x3;
	v20 =	vshll.u32 v20, $0x3;
	v19 =	vor.u32 $0x1, v19  }
0x7b: {  	v22 =	vmax.f32 v34, v23;
	vm3 =	veq.f32 v21, v4;
	vm4 =	vlt.s32 v19, v20  }
0x7c: {  	v23 =	vmax.f32 v32, v24;
	vm5 =	vgt.f32 v21, v4;
	vm3 =	vmand vm3, vm4  }
0x7d: {  	v13 =	vor.u32 $0x2, v13;
	v14 =	vor.u32 $0x3, v14;
	vm3 =	vmor vm5, vm3  }
0x7e: {  	v15 =	vmax.f32 v15, v22;
	v4 =	vsel vm3, v21, v4;
	v19 =	vsel vm3, v19, v20  }
0x7f: {  	v5 =	vmax.f32 v33, v5;
	vm3 =	veq.f32 v10, v4;
	vm4 =	vlt.s32 v13, v19  }
0x80: {  	v22 =	vmax.f32 v23, v26;
	vm3 =	vmand vm3, vm4;
	vm4 =	vgt.f32 v10, v4  }
0x81: {  	vm5 =	vgt.f32 v22, v18;
	v20 =	vmax.f32 v28, v31;
	vm3 =	vmor vm4, vm3  }
0x82: {  	v18 =	vsel vm5, v22, v18;
	v4 =	vsel vm3, v10, v4;
	v10 =	vsel vm3, v13, v19  }
0x83: {  	v13 =	vsel vm5, v3, v17;
	vm3 =	veq.f32 v9, v4;
	vm4 =	vlt.s32 v14, v10  }
0x84: {  	vm5 =	vgt.f32 v20, v16;
	vm3 =	vmand vm3, vm4;
	vm4 =	vgt.f32 v9, v4  }
0x85: {  	v16 =	vsel vm5, v20, v16;
	v13 =	vshll.u32 v13, $0x3;
	vm3 =	vmor vm4, vm3  }
0x86: {  	v13 =	vor.u32 $0x4, v13;
	v4 =	vsel vm3, v9, v4;
	v9 =	vsel vm3, v14, v10  }
0x87: {  	v10 =	vsel vm5, v3, v12;
	vm3 =	veq.f32 v18, v4;
	vm4 =	vlt.s32 v13, v9  }
0x88: {  	vm5 =	vgt.f32 v15, v7;
	vm3 =	vmand vm3, vm4;
	vm4 =	vgt.f32 v18, v4  }
0x89: {  	v12 =	vmax.f32 v25, v27;
	v10 =	vshll.u32 v10, $0x3;
	vm3 =	vmor vm4, vm3  }
0x8a: {  	v10 =	vor.u32 $0x5, v10;
	v4 =	vsel vm3, v18, v4;
	v9 =	vsel vm3, v13, v9  }
0x8b: {  	v5 =	vmax.f32 v12, v5;
	vm3 =	veq.f32 v16, v4;
	vm4 =	vlt.s32 v10, v9  }
0x8c: {  	v11 =	vsel vm5, v3, v11;
	vm3 =	vmand vm3, vm4;
	vm4 =	vgt.f32 v16, v4  }
0x8d: {  	v7 =	vsel vm5, v15, v7;
	v11 =	vshll.u32 v11, $0x3;
	vm3 =	vmor vm4, vm3  }
0x8e: {  	v11 =	vor.u32 $0x6, v11;
	v4 =	vsel vm3, v16, v4;
	v9 =	vsel vm3, v10, v9  }
0x8f: {  	vm3 =	vgt.f32 v5, v6;
	vm4 =	veq.f32 v7, v4;
	vm5 =	vlt.s32 v11, v9  }
0x90: {  	v3 =	vsel vm3, v3, v8;
	vm4 =	vmand vm4, vm5;
	vm5 =	vgt.f32 v7, v4  }
0x91: {  	v5 =	vsel vm3, v5, v6;
	v3 =	vshll.u32 v3, $0x3;
	vm3 =	vmor vm5, vm4  }
0x92: {  	v6 =	vor.u32 $0x7, v3;
	v3 =	vsel vm3, v7, v4;
	v4 =	vsel vm3, v11, v9  }
0x93: {  	vm3 =	veq.f32 v5, v3;
	vm4 =	vlt.s32 v6, v4  }
0x94: {  	vm5 =	vgt.f32 v5, v3;
	vm3 =	vmand vm3, vm4  }
0x95: {  	vm3 =	vmor vm5, vm3  }
0x96: {  	v5 =	vsel vm3, v5, v3  }
0x97: {  	(xrf0) =	vmax.scan.msk.f32 $0xffff, v5;
	_ =	sdelay $0x1  }
0x98: {  	s19 =	simm.s32 $0x81F0  }
0x99: {  	v24 =	vld [tilespmem:s19+$0xFFFFFF00]  }
0x9a: {  	v29 =	vld [tilespmem:s19+$0xFFFFFF30]  }
0x9b: {  	v30 =	vld [tilespmem:s19+$0xFFFFFF40]  }
0x9c: {  	v32 =	vld [tilespmem:s19+$0xFFFFFF90];
	v3, _, _ =	vpop (xrf0)  }
0x9d: {  	v37 =	vld [tilespmem:s19+$0xFFFFFFB0];
	v3 =	vbroadcast v3, $0xF  }
0x9e: {  	v38 =	vld [tilespmem:s19+$0xFFFFFFF0];
	v4 =	vsel vm3, v6, v4  }
0x9f: {  	v35 =	vld [tilespmem:s19+$0xFFFFFFD0];
	v4 =	vxor.u32 $0x80000000, v4;
	vm3 =	veq.f32 v5, v3  }
0xa0: {  	v39 =	vld [tilespmem:s19+$0xFFFFFFE0];
	v4 =	vnsel vm3, $0xC0000000, v4  }
0xa1: {  	v23 =	vld [tilespmem:s19+$0xFFFFFEC0];
	(xrf0) =	vmin.scan.msk.u32 $0xffff, v4  }
0xa2: {  	v26 =	vld [tilespmem:s19+$0xFFFFFEE0]  }
0xa3: {  	v21 =	vld [tilespmem:s19+$0xFFFFFEB0]  }
0xa4: {  	v22 =	vld [tilespmem:s19+$0xFFFFFEF0]  }
0xa5: {  	v17 =	vld [tilespmem:s19+$0xFFFFFE30]  }
0xa6: {  	v19 =	vld [tilespmem:s19+$0xFFFFFE50]  }
0xa7: {  	v20 =	vld [tilespmem:s19+$0xFFFFFEA0];
	v4, _, _ =	vpop (xrf0)  }
0xa8: {  	v21 =	vmax.f32 v21, v23;
	v23 =	vld [tilespmem:s19+$0xFFFFFF80];
	(v2sf) =	vpush v4, $0xF  }
0xa9: {  	v12 =	vld [tilespmem:s19+$0xFFFFFE90]  }
0xaa: {  	v25 =	vld [tilespmem:s19+$0xFFFFFED0]  }
0xab: {  	v27 =	vld [tilespmem:s19+$0xFFFFFE80]  }
0xac: {  	v13 =	vld [tilespmem:s19+$0xFFFFFE20]  }
0xad: {  	v18 =	vld [tilespmem:s19+$0xFFFFFE40]  }
0xae: {  	v12 =	vmax.f32 v12, v20;
	v20 =	vld [tilespmem:s19+$0xFFFFFF50]  }
0xaf: {  	v12 =	vmax.f32 v12, v21;
	v21 =	vmax.f32 v25, v26;
	v25 =	vld [tilespmem:s19+$0xFFFFFF70]  }
0xb0: {  	v22 =	vmax.f32 v22, v24;
	v16 =	vld [tilespmem:s19+$0xFFFFFE10]  }
0xb1: {  	v21 =	vmax.f32 v21, v22;
	v22 =	vld [tilespmem:s19+$0xFFFFFF60]  }
0xb2: {  	v30 =	vmax.f32 v29, v30;
	v8 =	vld [tilespmem:s19+$0xFFFFFE60]  }
0xb3: {  	v15 =	vimm.f32 $-Inf;
	v26 =	vimm.f32 $-Inf;
	v17 =	vmax.f32 v17, v18;
	v9 =	vld [tilespmem:s19+$0xFFFFFE70]  }
0xb4: {  	v33 =	vld [tilespmem:s19+$0xFFFFFF10];
	v18 =	vimm.f32 $-Inf;
	v11 =	vimm.s32 $0x0;
	v36 =	vmax.f32 v25, v23  }
0xb5: {  	v28 =	vld [tilespmem:s19+$0xFFFFFFC0];
	v25 =	vimm.s32 $0x0;
	v23 =	vimm.s32 $0x0;
	v16 =	vmax.f32 v16, v13  }
0xb6: {  	v29 =	vld [tilespmem:s19+$0xFFFFFF20];
	v34 =	vmax.f32 v20, v22;
	v22 =	vimm.s32 $0x0;
	v20 =	vimm.s32 $0x0  }
0xb7: {  	v14 =	vld [tilespmem:s19+$0xFFFFFFA0];
	v8 =	vmax.f32 v19, v8;
	v40 =	vmax.f32 v16, v17;
	v17 =	vimm.f32 $-Inf;
	s14 =	spop (v2sf)  }
0xb8: {  	v10 =	vld [tilespmem:s19+$0x0];
	v19 =	vimm.s32 $0x0;
	vm4 =	vgt.f32 v40, v15;
	v24 =	vmax.f32 v9, v27;
	s14 =	sshll.u32 s14, $0x6  }
0xb9: {  	v27 =	vimm.s32 $0x0;
	v31 =	vmax.f32 v8, v24;
	vm3 =	vgt.f32 v12, v15;
	v7 =	vld [tilespmem:s14+$0x0]  }
0xba: {  	v9 =	vsel vm3, v12, v15;
	v12 =	vsel vm3, v11, v11;
	vm3 =	vgt.f32 v21, v15;
	v6 =	vld [tilespmem:s14+$0x10]  }
0xbb: {  	s18 =	simm.s32 $0x0;
	s19 =	simm.s32 $0x83F0;
	v8 =	vsel vm3, v21, v15;
	v13 =	vsel vm3, v11, v11;
	vm3 =	vgt.f32 v31, v15;
	v5 =	vld [tilespmem:s14+$0x20]  }
0xbc: {  	v24 =	vimm.f32 $-Inf;
	v21 =	vimm.f32 $-Inf;
	v16 =	vsel vm3, v11, v11;
	v4 =	vld [tilespmem:s14+$0x30];
	s17 =	sor.u32 $0x10, s14;
	s16 =	sor.u32 $0x20, s14;
	s15 =	sor.u32 $0x30, s14  }
.LBB2_6:
0xbd: {  	v41 =	vld [tilespmem:s19+$0xFFFFFFA0];
	s18 =	sadd.s32 $0x200, s18;
	v15 =	vsel vm4, v40, v15;
	v25 =	vsel vm4, v11, v25;
	v27 =	vadd.s32 $0x1, v27  }
0xbe: {  	v26 =	vsel vm3, v31, v26;
	v14 =	vmax.f32 v32, v14;
	v40 =	vld [tilespmem:s19+$0xFFFFFE20];
	p0 =	slt.u32 s18, $0x7E00;
	v28 =	vmax.f32 v37, v28  }
0xbf: {  	v29 =	vmax.f32 v33, v29;
	v28 =	vmax.f32 v14, v28;
	v14 =	vmax.f32 v38, v10;
	v10 =	vld [tilespmem:s19+$0x0]  }
0xc0: {  	v29 =	vmax.f32 v29, v30;
	v30 =	vmax.f32 v34, v36;
	v38 =	vld [tilespmem:s19+$0xFFFFFE10];
	vm3 =	vgt.f32 v28, v17  }
0xc1: {  	vm4 =	vgt.f32 v29, v18;
	vm5 =	vgt.f32 v30, v21;
	v34 =	vld [tilespmem:s19+$0xFFFFFE30];
	v31 =	vmax.f32 v35, v39  }
0xc2: {  	v21 =	vsel vm5, v30, v21;
	v22 =	vsel vm5, v11, v22;
	v35 =	vld [tilespmem:s19+$0xFFFFFE40];
	v30 =	vmax.f32 v31, v14;
	v14 =	vmovc v41  }
0xc3: {  	v18 =	vsel vm4, v29, v18;
	v19 =	vsel vm4, v11, v19;
	v17 =	vsel vm3, v28, v17;
	v31 =	vld [tilespmem:s19+$0xFFFFFE60]  }
0xc4: {  	v23 =	vsel vm3, v11, v23;
	vm3 =	vgt.f32 v30, v24;
	v32 =	vld [tilespmem:s19+$0xFFFFFE50]  }
0xc5: {  	v24 =	vsel vm3, v30, v24;
	v20 =	vsel vm3, v11, v20;
	v11 =	vmov v27;
	v33 =	vld [tilespmem:s19+$0xFFFFFE70]  }
0xc6: {  	v30 =	vld [tilespmem:s19+$0xFFFFFE80]  }
0xc7: {  	v36 =	vld [tilespmem:s19+$0xFFFFFE90]  }
0xc8: {  	v37 =	vld [tilespmem:s19+$0xFFFFFEA0]  }
0xc9: {  	v39 =	vld [tilespmem:s19+$0xFFFFFEB0]  }
0xca: {  	v28 =	vld [tilespmem:s19+$0xFFFFFFC0]  }
0xcb: {  	v41 =	vld [tilespmem:s19+$0xFFFFFEF0]  }
0xcc: {  	v42 =	vld [tilespmem:s19+$0xFFFFFEC0]  }
0xcd: {  	v43 =	vld [tilespmem:s19+$0xFFFFFF00]  }
0xce: {  	v44 =	vld [tilespmem:s19+$0xFFFFFED0]  }
0xcf: {  	v45 =	vld [tilespmem:s19+$0xFFFFFEE0]  }
0xd0: {  	v29 =	vld [tilespmem:s19+$0xFFFFFF20]  }
0xd1: {  	v39 =	vmax.f32 v39, v42;
	v42 =	vld [tilespmem:s19+$0xFFFFFF30]  }
0xd2: {  	v41 =	vmax.f32 v41, v43;
	v43 =	vld [tilespmem:s19+$0xFFFFFF40]  }
0xd3: {  	v36 =	vmax.f32 v36, v37;
	v46 =	vld [tilespmem:s19+$0xFFFFFF50]  }
0xd4: {  	v36 =	vmax.f32 v36, v39;
	v37 =	vmax.f32 v44, v45;
	v39 =	vld [tilespmem:s19+$0xFFFFFF80]  }
0xd5: {  	v33 =	vmax.f32 v33, v30;
	vm3 =	vgt.f32 v36, v9;
	v37 =	vmax.f32 v37, v41;
	v41 =	vld [tilespmem:s19+$0xFFFFFF60]  }
0xd6: {  	v9 =	vsel vm3, v36, v9;
	v12 =	vsel vm3, v27, v12;
	v36 =	vld [tilespmem:s19+$0xFFFFFF70]  }
0xd7: {  	v31 =	vmax.f32 v32, v31;
	vm3 =	vgt.f32 v37, v8;
	v30 =	vmax.f32 v42, v43;
	v32 =	vld [tilespmem:s19+$0xFFFFFF90]  }
.Ltmp2:
0xd8: {  	v31 =	vmax.f32 v31, v33;
	v8 =	vsel vm3, v37, v8;
	v13 =	vsel vm3, v27, v13;
	v33 =	vld [tilespmem:s19+$0xFFFFFF10];
	(pc) =	sbr.rel @p0 .LBB2_6-.Ltmp2, $4  }
0xd9: {  	v35 =	vmax.f32 v34, v35;
	vm3 =	vgt.f32 v31, v26;
	v37 =	vld [tilespmem:s19+$0xFFFFFFB0]  }
0xda: {  	v40 =	vmax.f32 v38, v40;
	v16 =	vsel vm3, v27, v16;
	v34 =	vmax.f32 v46, v41;
	v38 =	vld [tilespmem:s19+$0xFFFFFFF0]  }
0xdb: {  	v40 =	vmax.f32 v40, v35;
	v35 =	vld [tilespmem:s19+$0xFFFFFFD0]  }
0xdc: {  	vm4 =	vgt.f32 v40, v15;
	v36 =	vmax.f32 v36, v39;
	v39 =	vld [tilespmem:s19+$0xFFFFFFE0];
	s19 =	sadd.s32 $0x200, s19  }
0xdd: {  	v15 =	vsel vm4, v40, v15;
	v25 =	vsel vm4, v11, v25;
	v26 =	vsel vm3, v31, v26  }
0xde: {  	v14 =	vmax.f32 v32, v14;
	v61 =	vmax.f32 v33, v29;
	v62 =	vmax.f32 v34, v36  }
0xdf: {  	v16 =	vshll.u32 v16, $0x3;
	v12 =	vshll.u32 v12, $0x3;
	v36 =	vor.u32 s17, v2  }
0xe0: {  	v13 =	vshll.u32 v13, $0x3;
	v27 =	vmax.f32 v37, v28;
	v28 =	vmax.f32 v61, v30  }
0xe1: {  	vm8 =	vgt.f32 v62, v21;
	v34 =	vshll.u32 v25, $0x3;
	v16 =	vor.u32 $0x1, v16  }
0xe2: {  	vm10 =	veq.f32 v26, v15;
	vm12 =	vgt.f32 v26, v15;
	v12 =	vor.u32 $0x2, v12  }
0xe3: {  	v13 =	vor.u32 $0x3, v13;
	v14 =	vmax.f32 v14, v27;
	v10 =	vmax.f32 v38, v10  }
0xe4: {  	vm5 =	vgt.f32 v28, v18;
	v21 =	vsel vm8, v62, v21;
	v22 =	vsel vm8, v11, v22  }
0xe5: {  	vm11 =	vlt.s32 v16, v34;
	vm3 =	vgt.f32 v14, v17;
	v18 =	vsel vm5, v28, v18  }
0xe6: {  	vm4 =	vmand vm10, vm11;
	v63 =	vmax.f32 v35, v39;
	v14 =	vsel vm3, v14, v17  }
0xe7: {  	v32 =	vsel vm3, v11, v23;
	vm3 =	veq.f32 v7, v3;
	v35 =	vor.u32 s14, v2  }
0xe8: {  	vm4 =	vmor vm12, vm4;
	v10 =	vmax.f32 v63, v10;
	vm13 =	vlt.s32 v35, $0x40000000  }
0xe9: {  	v15 =	vsel vm4, v26, v15;
	v16 =	vsel vm4, v16, v34;
	vm9 =	vgt.f32 v10, v24  }
0xea: {  	v7 =	vnsel vm13, $0x40000000, v35;
	vm14 =	veq.f32 v9, v15;
	vm15 =	vlt.s32 v12, v16  }
0xeb: {  	v7 =	vnsel vm3, $0x40000000, v7;
	vm3 =	vgt.f32 v9, v15;
	vm4 =	vmand vm14, vm15  }
0xec: {  	v19 =	vsel vm5, v11, v19;
	v10 =	vsel vm9, v10, v24;
	vm3 =	vmor vm3, vm4  }
0xed: {  	v33 =	vsel vm9, v11, v20;
	v37 =	vsel vm3, v9, v15;
	v12 =	vsel vm3, v12, v16  }
0xee: {  	vm3 =	vlt.s32 v7, v36;
	vm8 =	veq.f32 v8, v37;
	vm9 =	vlt.s32 v13, v12  }
0xef: {  	v38 =	vsel vm3, v7, v36;
	vm3 =	vgt.f32 v8, v37;
	vm4 =	vmand vm8, vm9  }
0xf0: {  	vm10 =	veq.f32 v6, v3;
	v39 =	vshll.u32 v19, $0x3;
	vm3 =	vmor vm3, vm4  }
0xf1: {  	v6 =	vor.u32 $0x4, v39;
	v40 =	vsel vm3, v8, v37;
	v41 =	vsel vm3, v13, v12  }
0xf2: {  	v42 =	vor.u32 s16, v2;
	vm3 =	veq.f32 v18, v40;
	vm11 =	vlt.s32 v6, v41  }
0xf3: {  	vm12 =	veq.f32 v5, v3;
	vm13 =	vgt.f32 v18, v40;
	vm3 =	vmand vm3, vm11  }
0xf4: {  	v43 =	vshll.u32 v22, $0x3;
	v5 =	vnsel vm12, $0x40000000, v42;
	vm3 =	vmor vm13, vm3  }
0xf5: {  	v12 =	vor.u32 $0x5, v43;
	v8 =	vsel vm3, v18, v40;
	v6 =	vsel vm3, v6, v41  }
0xf6: {  	v7 =	vsel vm10, v38, v7;
	vm3 =	veq.f32 v21, v8;
	vm14 =	vlt.s32 v12, v6  }
0xf7: {  	vm5 =	vlt.s32 v7, v5;
	vm15 =	vgt.f32 v21, v8;
	vm3 =	vmand vm3, vm14  }
0xf8: {  	v44 =	vshll.u32 v32, $0x3;
	v5 =	vsel vm5, v7, v5;
	vm3 =	vmor vm15, vm3  }
0xf9: {  	v7 =	vor.u32 $0x6, v44;
	v8 =	vsel vm3, v21, v8;
	v6 =	vsel vm3, v12, v6  }
0xfa: {  	v45 =	vor.u32 s15, v2;
	vm8 =	veq.f32 v14, v8;
	vm9 =	vlt.s32 v7, v6  }
0xfb: {  	vm3 =	veq.f32 v4, v3;
	vm10 =	vgt.f32 v14, v8;
	vm4 =	vmand vm8, vm9  }
0xfc: {  	v46 =	vshll.u32 v33, $0x3;
	v4 =	vnsel vm3, $0x40000000, v45;
	vm3 =	vmor vm10, vm4  }
0xfd: {  	v9 =	vor.u32 $0x7, v46;
	v8 =	vsel vm3, v14, v8;
	v6 =	vsel vm3, v7, v6  }
0xfe: {  	vm3 =	vlt.s32 v5, v4;
	vm11 =	veq.f32 v10, v8;
	vm12 =	vlt.s32 v9, v6  }
0xff: {  	v4 =	vsel vm3, v5, v4;
	vm3 =	vgt.f32 v10, v8;
	vm4 =	vmand vm11, vm12  }
0x100: {  	v4 =	vxor.u32 $0x80000000, v4;
	vm3 =	vmor vm3, vm4  }
0x101: {  	(xrf0) =	vmin.scan.msk.u32 $0xffff, v4;
	v47 =	vsel vm3, v10, v8  }
0x102: {  	(xrf0) =	vmax.scan.msk.f32 $0xffff, v47;
	_ =	sdelay $0x4  }
0x103: {  	v48, _, _ =	vpop (xrf0)  }
0x104: {  	v49, _, _ =	vpop (xrf0)  }
0x105: {  	v7 =	vbroadcast v49, $0xF  }
0x106: {  	v6 =	vsel vm3, v9, v6  }
0x107: {  	v50 =	vxor.u32 $0x80000000, v6;
	vm3 =	veq.f32 v47, v7  }
0x108: {  	v4 =	vnsel vm3, $0xC0000000, v50  }
0x109: {  	(xrf0) =	vmin.scan.msk.u32 $0xffff, v4;
	_ =	sdelay $0x5  }
0x10a: {  	(v2sf) =	vpush v48, $0xF;
	v4, _, _ =	vpop (xrf0)  }
0x10b: {  	(v2sf) =	vpush v4, $0xF;
	_ =	sdelay $0xd  }
0x10c: {  	s25 =	spop (v2sf)  }
0x10d: {  	s26 =	spop (v2sf)  }
0x10e: {  	s15 =	sshll.u32 s26, $0x6  }
0x10f: {  	v51 =	vld [tilespmem:s15+$0x8000];
	_ =	sdelay $0x1  }
0x110: {  	v52 =	vld [tilespmem:s15+$0x8010]  }
0x111: {  	v53 =	vor.u32 s15, v2;
	v54 =	vld [tilespmem:s15+$0x8020]  }
0x112: {  	vm3 =	vlt.s32 v53, $0x40000000  }
0x113: {  	s28 =	sor.u32 $0x10, s15;
	v56 =	vld [tilespmem:s15+$0x8030];
	v55 =	vnsel vm3, $0x40000000, v53;
	vm13 =	veq.f32 v51, v7  }
0x114: {  	s29 =	sor.u32 $0x20, s15;
	v57 =	vor.u32 s28, v2;
	v4 =	vnsel vm13, $0x40000000, v55  }
0x115: {  	v59 =	vor.u32 s29, v2;
	vm4 =	vlt.s32 v4, v57  }
0x116: {  	vm3 =	veq.f32 v52, v7;
	vm14 =	veq.f32 v54, v7;
	v58 =	vsel vm4, v4, v57  }
0x117: {  	s15 =	sor.u32 $0x30, s15;
	v60 =	vnsel vm14, $0x40000000, v59;
	v4 =	vsel vm3, v58, v4  }
0x118: {  	v61 =	vor.u32 s15, v2;
	vm15 =	veq.f32 v56, v7;
	vm3 =	vlt.s32 v4, v60  }
0x119: {  	v62 =	vnsel vm15, $0x40000000, v61;
	v4 =	vsel vm3, v4, v60  }
0x11a: {  	vm3 =	vlt.s32 v4, v62  }
0x11b: {  	v4 =	vsel vm3, v4, v62  }
0x11c: {  	v4 =	vxor.u32 $0x80000000, v4  }
0x11d: {  	(xrf0) =	vmin.scan.msk.u32 $0xffff, v4;
	_ =	sdelay $0x5  }
0x11e: {  	v4, _, _ =	vpop (xrf0)  }
0x11f: {  	(v2sf) =	vpush v4, $0xF;
	_ =	sdelay $0xd  }
0x120: {  	s14 =	sxor.u32 $0x80000000, s25;
	vm3 =	vmmov $0x1  }
0x121: {  	v63 =	vmov s14;
	v3 =	vnsel vm3, $0x0, v3;
	s30 =	spop (v2sf)  }
0x122: {  	v3 =	vsel vm0, v3, v7;
	v4 =	vnsel vm1, $0x0, v63;
	s31 =	sxor.u32 $0x80000000, s30  }
0x123: {  	[tilespmem:$0x11000] =	vst v3;
	v4 =	vsel vm2, s31, v4  }
0x124: {  	[tilespmem:$0x11080] =	vst v4  }
0x125: {  	[hbm4b:s5+s3] =	stream.linear.scatter [tilespmem:s11], [sflag:$0x1], $0x80, $0x38;
	[tilespmem:$0x11100] =	vst v63  }
0x126: {  	s13 =	sadd.s32 $0x1, s13  }
0x127: {  	[hbm4b:s6+s3] =	stream.linear.scatter [tilespmem:s12], [sflag:$0x2], $0x80, $0x38;
	[tilespmem:$0x11100] =	vst v63  }
0x128: {  	p0 =	sne.s32 s13, s7;
	_ =	swait.ge [sflag:s9], $0x80  }
.Ltmp3:
0x129: {  	[sflag:s9] =	ssyncset.done $0x0;
	(pc) =	sbr.rel @p0 .LBB2_1-.Ltmp3, $4  }
0x12a: {  	[sflag:s9] =	ssyncadd.s32 $0xFFFFFF80  }
0x12b: {  	_ =	swait.ge [sflag:s10], $0x80  }
0x12c: {  	[sflag:s10] =	ssyncset.done $0x0  }
0x12d: {  	[sflag:s10] =	ssyncadd.s32 $0xFFFFFF80  }
0x12e: {  	_ =	sfence.sel $0x180000  }
0x12f: {  	[bflag:$0x0] =	sbarrier.arrive $0xFFFF  }
0x130: {  	p0 =	sne.s32 s1, $0x0;
	_ =	strace $0x90000047  }
0x131: {  	s0 =	sadd.s32 @!p0 $0x100000, s0;
	[bflag:$0x2] =	sbarrier.arrive $0xFFFF  }
0x132: {  	[sflag:s0] =	ssyncadd.tile.s32 @!p0 $0x1;
	_ =	shalt  }
.Lfunc_end2:
_tile_overlayer_lowered:
.L_overlay_start_2:
0x133: {  	(tag) =	ssettag $0x2  }
0x134: {  	s0 =	rddreg [dreg:$0x0];
	s2 =	stileid.u32  }
0x135: {  	s1 =	rddreg [dreg:$0x1];
	p0 =	sne.s32 s2, $0x0  }
0x136: {  	s3 =	rddreg [dreg:$0x2];
	[bflag:$0x3] =	sbarrier.arrive $0xFFFF;
	s2 =	simm.s32 @!p0 $0x1C02  }
0x137: {  	[timem:s3], [sflag:s2] =	dma.local @!p0 [hbm:s0], s1  }
0x138: {  	s0 =	simm.s32 @!p0 $0x2  }
0x139: {  	_ =	swait.ge @!p0 [sflag:s0], s1  }
0x13a: {  	s1 =	ssub.s32 @!p0 $0x0, s1;
	[sflag:s0] =	ssyncset.done @!p0 $0x0  }
0x13b: {  	[sflag:s0] =	ssyncadd.s32 @!p0 s1  }
0x13c: {  	[bflag:$0x3] =	sbarrier.arrive $0xFFFF  }
0x13d: {  	_ =	shalt  }

</sc_bundles>
